<compile_context>
chip_gen: v7x
topology: tpu7x:2x2x1
jax: 0.10.2.dev20260603
libtpu: 0.0.44.dev20260713+nightly
codegen_flags: <defaults>
</compile_context>

<pallas_src>
import functools

import jax
import jax.numpy as jnp
from jax import lax
from jax.experimental import pallas as pl
from jax.experimental.pallas import tpu as pltpu
from jax.experimental.pallas import tpu_sc as plsc

L = 16
NW = 32
CHUNK = 640
SUPER = 98


def _sc_one_hot(n_atoms, n_elem, n_z):
    num_chunks = n_atoms // CHUNK
    cpw = (num_chunks + NW - 1) // NW
    supers = (cpw + SUPER - 1) // SUPER
    pairs = (SUPER + 1) // 2
    groups = CHUNK // L

    mesh = plsc.VectorSubcoreMesh(core_axis_name="c", subcore_axis_name="s")

    @functools.partial(
        pl.kernel,
        out_type=jax.ShapeDtypeStruct((n_elem, n_atoms), jnp.float32),
        mesh=mesh,
        scratch_types=[
            pltpu.VMEM((n_z,), jnp.int32),
            pltpu.VMEM((SUPER * CHUNK,), jnp.int32),
            pltpu.VMEM((SUPER * CHUNK if supers > 1 else 8,), jnp.int32),
            pltpu.VMEM((CHUNK,), jnp.int32),
            pltpu.VMEM((CHUNK,), jnp.int32),
            pltpu.VMEM((n_elem, CHUNK), jnp.float32),
            pltpu.VMEM((n_elem, CHUNK), jnp.float32),
            pltpu.SemaphoreType.DMA,
            pltpu.SemaphoreType.DMA,
            pltpu.SemaphoreType.DMA,
            pltpu.SemaphoreType.DMA,
        ],
        compiler_params=pltpu.CompilerParams(needs_layout_passes=False),
    )
    def k(z_hbm, z2i_hbm, out_hbm,
          z2i_v, zst0, zst1, prev0, prev1, out0, out1,
          zsem0, zsem1, osem0, osem1):
        wid = lax.axis_index("c") * 16 + lax.axis_index("s")
        lane = lax.iota(jnp.int32, L)
        zeros_f = jnp.zeros((L,), jnp.float32)
        ones_f = jnp.ones((L,), jnp.float32)
        zeros_i = jnp.zeros((L,), jnp.int32)
        zsts = (zst0, zst1)
        zsems = (zsem0, zsem1)
        prevs = (prev0, prev1)
        outs = (out0, out1)
        osems = (osem0, osem1)
        w_base = wid * cpw

        def stage_base(s):
            return jnp.minimum(
                (w_base + s * SUPER) * CHUNK, n_atoms - SUPER * CHUNK
            )

        pltpu.async_copy(
            z_hbm.at[pl.ds(stage_base(0), SUPER * CHUNK)], zst0, zsem0
        )
        pltpu.sync_copy(z2i_hbm, z2i_v)

        def zero_body(b, _):
            col = b * L + lane
            for out_v in outs:
                for j in range(n_elem):
                    plsc.store_scatter(
                        out_v, [jnp.full((L,), j, jnp.int32), col], zeros_f
                    )
            return _

        lax.fori_loop(0, groups, zero_body, None)

        def prev_init(g, _):
            prev0[pl.ds(g * L, L)] = zeros_i
            prev1[pl.ds(g * L, L)] = zeros_i
            return _

        lax.fori_loop(0, groups, prev_init, None, unroll=8)

        for s in range(supers):
            sb = s % 2
            pltpu.make_async_copy(
                z_hbm.at[pl.ds(0, SUPER * CHUNK)], zsts[sb], zsems[sb]
            ).wait()
            if s + 1 < supers:
                pltpu.async_copy(
                    z_hbm.at[pl.ds(stage_base(s + 1), SUPER * CHUNK)],
                    zsts[1 - sb],
                    zsems[1 - sb],
                )
            z_stage = zsts[sb]
            base_s = stage_base(s)

            def pair_body(p, _):
                for b in range(2):
                    c = s * SUPER + 2 * p + b
                    cid = w_base + c
                    out_v, prev_v, osem = outs[b], prevs[b], osems[b]

                    @pl.when(jnp.logical_and(c < cpw, cid < num_chunks))
                    def _():
                        @pl.when(c >= 2)
                        def _():
                            pltpu.make_async_copy(
                                out_v, out_hbm.at[:, pl.ds(0, CHUNK)], osem
                            ).wait()

                        col_base = cid * CHUNK
                        zoff = col_base - base_s

                        @plsc.parallel_loop(0, groups, unroll=8)
                        def group_body(g):
                            col = g * L + lane
                            plsc.store_scatter(
                                out_v, [prev_v[pl.ds(g * L, L)], col], zeros_f
                            )
                            z = jnp.clip(
                                z_stage[pl.ds(zoff + g * L, L)], 0, n_z - 1
                            )
                            idx = jnp.clip(
                                plsc.load_gather(z2i_v, [z]), 0, n_elem - 1
                            )
                            plsc.store_scatter(out_v, [idx, col], ones_f)
                            prev_v[pl.ds(g * L, L)] = idx
                        pltpu.async_copy(
                            out_v, out_hbm.at[:, pl.ds(col_base, CHUNK)], osem
                        )

                return _

            lax.fori_loop(0, pairs, pair_body, None)

        for b in range(2):
            pltpu.make_async_copy(
                outs[b], out_hbm.at[:, pl.ds(0, CHUNK)], osems[b]
            ).wait()

    return k


def kernel(Z, Z_to_idx, eye):
    n_atoms = Z.shape[0]
    n_elem = eye.shape[0]
    n_z = Z_to_idx.shape[0]
    out_t = _sc_one_hot(n_atoms, n_elem, n_z)(Z, Z_to_idx)
    return out_t.T

# --- scband reference (transcript-rebuilt; emitter-appended) ---
"""Pipeline reference for scband-atomic-one-hot-30923764531736 (READ-ONLY COPY).

The authoritative reference and input builder live on the scoring server;
editing this copy changes nothing except your own understanding.
"""

import jax, jax.numpy as jnp
import numpy as np

ELEMENTS = ["H", "He", "Li", "Be", "B", "C", "N", "O", "F", "Ne", "Na", "Mg", "Al", "Si", "P", "S", "Cl", "Ar"]
ATOMIC_NUMBERS = {s: i + 1 for i, s in enumerate(ELEMENTS)}  # true atomic numbers for first 18 elements
MAX_Z = 118
N_ELEMENTS = len(ELEMENTS)
N_ATOMS = 2000000


def setup_inputs(seed: int = 0) -> dict:
    key = jax.random.key(seed)
    # Z: atomic numbers per atom. fill='ones' -> all hydrogen (Z=1), guaranteed in-range.
    Z = jnp.ones((N_ATOMS,), dtype=jnp.int32)
    # Buffer Z_to_idx, built exactly like the torch module's __init__.
    z2i = np.full((MAX_Z + 1,), 1234, dtype=np.int32)
    for i, symbol in enumerate(ELEMENTS):
        z2i[ATOMIC_NUMBERS[symbol]] = i
    Z_to_idx = jnp.asarray(z2i)
    # Identity matrix: one_hot(idx, n).float() is exactly eye[idx] (float32 gather).
    eye = jnp.eye(N_ELEMENTS, dtype=jnp.float32)
    return {"Z": Z, "Z_to_idx": Z_to_idx, "eye": eye}


def reference(Z, Z_to_idx, eye):
    # internal_idx = self.Z_to_idx[Z]
    internal_idx = jnp.take(Z_to_idx, Z, axis=0)
    # one_hot(internal_idx, n_elements).float() == eye[internal_idx]
    return jnp.take(eye, internal_idx, axis=0)

if __name__ == "__main__":
    import jax
    _d = setup_inputs()
    print(jax.jit(kernel)(*tuple(_d.values())))

</pallas_src>

<mosaic_0001>
#map = affine_map<(d0, d1) -> (0)>
#map1 = affine_map<(d0, d1) -> (0, 0)>
module attributes {stable_mosaic.version = 14 : i64} {
  func.func @k(%arg0: i32, %arg1: i32, %arg2: memref<2000000xi32, #tpu.memory_space<hbm>>, %arg3: memref<119xi32, #tpu.memory_space<hbm>>, %arg4: memref<18x2000000xf32, #tpu.memory_space<hbm>>, %arg5: memref<119xi32, #tpu.memory_space<vmem>>, %arg6: memref<62720xi32, #tpu.memory_space<vmem>>, %arg7: memref<8xi32, #tpu.memory_space<vmem>>, %arg8: memref<640xi32, #tpu.memory_space<vmem>>, %arg9: memref<640xi32, #tpu.memory_space<vmem>>, %arg10: memref<18x640xf32, #tpu.memory_space<vmem>>, %arg11: memref<18x640xf32, #tpu.memory_space<vmem>>, %arg12: memref<!tpu.dma_semaphore, #tpu.memory_space<semaphore_mem>>, %arg13: memref<!tpu.dma_semaphore, #tpu.memory_space<semaphore_mem>>, %arg14: memref<!tpu.dma_semaphore, #tpu.memory_space<semaphore_mem>>, %arg15: memref<!tpu.dma_semaphore, #tpu.memory_space<semaphore_mem>>) attributes {dimension_semantics = [#tpu.dimension_semantics<core_parallel>, #tpu.dimension_semantics<subcore_parallel>], iteration_bounds = array<i64: 2, 16>, scalar_prefetch = 0 : i64, scratch_operands = 11 : i64, tpu.core_type = #tpu.core_type<sc_vector_subcore>, window_params = [{transform_indices = #map}, {transform_indices = #map}, {transform_indices = #map1}]} {
    %mul3A = arith.constant 16 : i32
    %mul3A_0 = arith.muli %arg0, %mul3A : i32
    %add3A = arith.addi %mul3A_0, %arg1 : i32
    %iota3A = tpu.iota {dimensions = array<i32: 0>} : vector<16xi32>
    %broadcast_in_dim3A = arith.constant 0.000000e+00 : f32
    %broadcast_in_dim3A_1 = vector.broadcast %broadcast_in_dim3A : f32 to vector<16xf32>
    %broadcast_in_dim3A_2 = arith.constant 1.000000e+00 : f32
    %broadcast_in_dim3A_3 = vector.broadcast %broadcast_in_dim3A_2 : f32 to vector<16xf32>
    %broadcast_in_dim3A_4 = arith.constant 0 : i32
    %broadcast_in_dim3A_5 = vector.broadcast %broadcast_in_dim3A_4 : i32 to vector<16xi32>
    %mul3A_6 = arith.constant 98 : i32
    %mul3A_7 = arith.muli %add3A, %mul3A_6 : i32
    %add3A_8 = arith.constant 0 : i32
    %add3A_9 = arith.addi %mul3A_7, %add3A_8 : i32
    %mul3A_10 = arith.constant 640 : i32
    %mul3A_11 = arith.muli %add3A_9, %mul3A_10 : i32
    %min3A = arith.constant 1937280 : i32
    %min3A_12 = arith.minsi %mul3A_11, %min3A : i32
    %dma_start3A = tpu.memref_slice %arg2[%min3A_12] : memref<2000000xi32, #tpu.memory_space<hbm>> -> memref<62720xi32, #tpu.memory_space<hbm>>
    %dma_start3A_13 = tpu.memref_slice %arg2[%min3A_12] : memref<2000000xi32, #tpu.memory_space<hbm>> -> memref<62720xi32, #tpu.memory_space<hbm>>
    tpu.enqueue_dma source(%dma_start3A_13 : memref<62720xi32, #tpu.memory_space<hbm>>) target(%arg6 : memref<62720xi32, #tpu.memory_space<vmem>>) target_semaphore(%arg12 : memref<!tpu.dma_semaphore, #tpu.memory_space<semaphore_mem>>)
    "tpu.region"() ({
      %run_scoped3A = tpu.sem_alloc : memref<!tpu.dma_semaphore, #tpu.memory_space<semaphore_mem>>
      tpu.enqueue_dma source(%arg3 : memref<119xi32, #tpu.memory_space<hbm>>) target(%arg5 : memref<119xi32, #tpu.memory_space<vmem>>) target_semaphore(%run_scoped3A : memref<!tpu.dma_semaphore, #tpu.memory_space<semaphore_mem>>)
      tpu.wait_dma2 semaphore(%run_scoped3A : memref<!tpu.dma_semaphore, #tpu.memory_space<semaphore_mem>>) src(%arg3 : memref<119xi32, #tpu.memory_space<hbm>>) dst(%arg5 : memref<119xi32, #tpu.memory_space<vmem>>)
      tpu.yield
    }) : () -> ()
    %scan3A = arith.constant 0 : i32
    %scan3A_14 = arith.constant 40 : i32
    %scan3A_15 = arith.addi %scan3A, %scan3A_14 : i32
    %scan3A_16 = arith.constant 1 : i32
    scf.for %scan3A_49 = %scan3A to %scan3A_15 step %scan3A_16  : i32 {
      %mul3A_50 = arith.constant 16 : i32
      %mul3A_51 = arith.muli %scan3A_49, %mul3A_50 : i32
      %add3A_52 = vector.broadcast %mul3A_51 : i32 to vector<16xi32>
      %add3A_53 = arith.addi %add3A_52, %iota3A : vector<16xi32>
      %broadcast_in_dim3A_54 = arith.constant 0 : i32
      %broadcast_in_dim3A_55 = vector.broadcast %broadcast_in_dim3A_54 : i32 to vector<16xi32>
      tpu.vector_store_idx %arg10[%broadcast_in_dim3A_55, %add3A_53], %broadcast_in_dim3A_1 : memref<18x640xf32, #tpu.memory_space<vmem>>[vector<16xi32>, vector<16xi32>], vector<16xf32>,
      %broadcast_in_dim3A_56 = arith.constant 1 : i32
      %broadcast_in_dim3A_57 = vector.broadcast %broadcast_in_dim3A_56 : i32 to vector<16xi32>
      tpu.vector_store_idx %arg10[%broadcast_in_dim3A_57, %add3A_53], %broadcast_in_dim3A_1 : memref<18x640xf32, #tpu.memory_space<vmem>>[vector<16xi32>, vector<16xi32>], vector<16xf32>,
      %broadcast_in_dim3A_58 = arith.constant 2 : i32
      %broadcast_in_dim3A_59 = vector.broadcast %broadcast_in_dim3A_58 : i32 to vector<16xi32>
      tpu.vector_store_idx %arg10[%broadcast_in_dim3A_59, %add3A_53], %broadcast_in_dim3A_1 : memref<18x640xf32, #tpu.memory_space<vmem>>[vector<16xi32>, vector<16xi32>], vector<16xf32>,
      %broadcast_in_dim3A_60 = arith.constant 3 : i32
      %broadcast_in_dim3A_61 = vector.broadcast %broadcast_in_dim3A_60 : i32 to vector<16xi32>
      tpu.vector_store_idx %arg10[%broadcast_in_dim3A_61, %add3A_53], %broadcast_in_dim3A_1 : memref<18x640xf32, #tpu.memory_space<vmem>>[vector<16xi32>, vector<16xi32>], vector<16xf32>,
      %broadcast_in_dim3A_62 = arith.constant 4 : i32
      %broadcast_in_dim3A_63 = vector.broadcast %broadcast_in_dim3A_62 : i32 to vector<16xi32>
      tpu.vector_store_idx %arg10[%broadcast_in_dim3A_63, %add3A_53], %broadcast_in_dim3A_1 : memref<18x640xf32, #tpu.memory_space<vmem>>[vector<16xi32>, vector<16xi32>], vector<16xf32>,
      %broadcast_in_dim3A_64 = arith.constant 5 : i32
      %broadcast_in_dim3A_65 = vector.broadcast %broadcast_in_dim3A_64 : i32 to vector<16xi32>
      tpu.vector_store_idx %arg10[%broadcast_in_dim3A_65, %add3A_53], %broadcast_in_dim3A_1 : memref<18x640xf32, #tpu.memory_space<vmem>>[vector<16xi32>, vector<16xi32>], vector<16xf32>,
      %broadcast_in_dim3A_66 = arith.constant 6 : i32
      %broadcast_in_dim3A_67 = vector.broadcast %broadcast_in_dim3A_66 : i32 to vector<16xi32>
      tpu.vector_store_idx %arg10[%broadcast_in_dim3A_67, %add3A_53], %broadcast_in_dim3A_1 : memref<18x640xf32, #tpu.memory_space<vmem>>[vector<16xi32>, vector<16xi32>], vector<16xf32>,
      %broadcast_in_dim3A_68 = arith.constant 7 : i32
      %broadcast_in_dim3A_69 = vector.broadcast %broadcast_in_dim3A_68 : i32 to vector<16xi32>
      tpu.vector_store_idx %arg10[%broadcast_in_dim3A_69, %add3A_53], %broadcast_in_dim3A_1 : memref<18x640xf32, #tpu.memory_space<vmem>>[vector<16xi32>, vector<16xi32>], vector<16xf32>,
      %broadcast_in_dim3A_70 = arith.constant 8 : i32
      %broadcast_in_dim3A_71 = vector.broadcast %broadcast_in_dim3A_70 : i32 to vector<16xi32>
      tpu.vector_store_idx %arg10[%broadcast_in_dim3A_71, %add3A_53], %broadcast_in_dim3A_1 : memref<18x640xf32, #tpu.memory_space<vmem>>[vector<16xi32>, vector<16xi32>], vector<16xf32>,
      %broadcast_in_dim3A_72 = arith.constant 9 : i32
      %broadcast_in_dim3A_73 = vector.broadcast %broadcast_in_dim3A_72 : i32 to vector<16xi32>
      tpu.vector_store_idx %arg10[%broadcast_in_dim3A_73, %add3A_53], %broadcast_in_dim3A_1 : memref<18x640xf32, #tpu.memory_space<vmem>>[vector<16xi32>, vector<16xi32>], vector<16xf32>,
      %broadcast_in_dim3A_74 = arith.constant 10 : i32
      %broadcast_in_dim3A_75 = vector.broadcast %broadcast_in_dim3A_74 : i32 to vector<16xi32>
      tpu.vector_store_idx %arg10[%broadcast_in_dim3A_75, %add3A_53], %broadcast_in_dim3A_1 : memref<18x640xf32, #tpu.memory_space<vmem>>[vector<16xi32>, vector<16xi32>], vector<16xf32>,
      %broadcast_in_dim3A_76 = arith.constant 11 : i32
      %broadcast_in_dim3A_77 = vector.broadcast %broadcast_in_dim3A_76 : i32 to vector<16xi32>
      tpu.vector_store_idx %arg10[%broadcast_in_dim3A_77, %add3A_53], %broadcast_in_dim3A_1 : memref<18x640xf32, #tpu.memory_space<vmem>>[vector<16xi32>, vector<16xi32>], vector<16xf32>,
      %broadcast_in_dim3A_78 = arith.constant 12 : i32
      %broadcast_in_dim3A_79 = vector.broadcast %broadcast_in_dim3A_78 : i32 to vector<16xi32>
      tpu.vector_store_idx %arg10[%broadcast_in_dim3A_79, %add3A_53], %broadcast_in_dim3A_1 : memref<18x640xf32, #tpu.memory_space<vmem>>[vector<16xi32>, vector<16xi32>], vector<16xf32>,
      %broadcast_in_dim3A_80 = arith.constant 13 : i32
      %broadcast_in_dim3A_81 = vector.broadcast %broadcast_in_dim3A_80 : i32 to vector<16xi32>
      tpu.vector_store_idx %arg10[%broadcast_in_dim3A_81, %add3A_53], %broadcast_in_dim3A_1 : memref<18x640xf32, #tpu.memory_space<vmem>>[vector<16xi32>, vector<16xi32>], vector<16xf32>,
      %broadcast_in_dim3A_82 = arith.constant 14 : i32
      %broadcast_in_dim3A_83 = vector.broadcast %broadcast_in_dim3A_82 : i32 to vector<16xi32>
      tpu.vector_store_idx %arg10[%broadcast_in_dim3A_83, %add3A_53], %broadcast_in_dim3A_1 : memref<18x640xf32, #tpu.memory_space<vmem>>[vector<16xi32>, vector<16xi32>], vector<16xf32>,
      %broadcast_in_dim3A_84 = arith.constant 15 : i32
      %broadcast_in_dim3A_85 = vector.broadcast %broadcast_in_dim3A_84 : i32 to vector<16xi32>
      tpu.vector_store_idx %arg10[%broadcast_in_dim3A_85, %add3A_53], %broadcast_in_dim3A_1 : memref<18x640xf32, #tpu.memory_space<vmem>>[vector<16xi32>, vector<16xi32>], vector<16xf32>,
      %broadcast_in_dim3A_86 = arith.constant 16 : i32
      %broadcast_in_dim3A_87 = vector.broadcast %broadcast_in_dim3A_86 : i32 to vector<16xi32>
      tpu.vector_store_idx %arg10[%broadcast_in_dim3A_87, %add3A_53], %broadcast_in_dim3A_1 : memref<18x640xf32, #tpu.memory_space<vmem>>[vector<16xi32>, vector<16xi32>], vector<16xf32>,
      %broadcast_in_dim3A_88 = arith.constant 17 : i32
      %broadcast_in_dim3A_89 = vector.broadcast %broadcast_in_dim3A_88 : i32 to vector<16xi32>
      tpu.vector_store_idx %arg10[%broadcast_in_dim3A_89, %add3A_53], %broadcast_in_dim3A_1 : memref<18x640xf32, #tpu.memory_space<vmem>>[vector<16xi32>, vector<16xi32>], vector<16xf32>,
      %broadcast_in_dim3A_90 = arith.constant 0 : i32
      %broadcast_in_dim3A_91 = vector.broadcast %broadcast_in_dim3A_90 : i32 to vector<16xi32>
      tpu.vector_store_idx %arg11[%broadcast_in_dim3A_91, %add3A_53], %broadcast_in_dim3A_1 : memref<18x640xf32, #tpu.memory_space<vmem>>[vector<16xi32>, vector<16xi32>], vector<16xf32>,
      %broadcast_in_dim3A_92 = arith.constant 1 : i32
      %broadcast_in_dim3A_93 = vector.broadcast %broadcast_in_dim3A_92 : i32 to vector<16xi32>
      tpu.vector_store_idx %arg11[%broadcast_in_dim3A_93, %add3A_53], %broadcast_in_dim3A_1 : memref<18x640xf32, #tpu.memory_space<vmem>>[vector<16xi32>, vector<16xi32>], vector<16xf32>,
      %broadcast_in_dim3A_94 = arith.constant 2 : i32
      %broadcast_in_dim3A_95 = vector.broadcast %broadcast_in_dim3A_94 : i32 to vector<16xi32>
      tpu.vector_store_idx %arg11[%broadcast_in_dim3A_95, %add3A_53], %broadcast_in_dim3A_1 : memref<18x640xf32, #tpu.memory_space<vmem>>[vector<16xi32>, vector<16xi32>], vector<16xf32>,
      %broadcast_in_dim3A_96 = arith.constant 3 : i32
      %broadcast_in_dim3A_97 = vector.broadcast %broadcast_in_dim3A_96 : i32 to vector<16xi32>
      tpu.vector_store_idx %arg11[%broadcast_in_dim3A_97, %add3A_53], %broadcast_in_dim3A_1 : memref<18x640xf32, #tpu.memory_space<vmem>>[vector<16xi32>, vector<16xi32>], vector<16xf32>,
      %broadcast_in_dim3A_98 = arith.constant 4 : i32
      %broadcast_in_dim3A_99 = vector.broadcast %broadcast_in_dim3A_98 : i32 to vector<16xi32>
      tpu.vector_store_idx %arg11[%broadcast_in_dim3A_99, %add3A_53], %broadcast_in_dim3A_1 : memref<18x640xf32, #tpu.memory_space<vmem>>[vector<16xi32>, vector<16xi32>], vector<16xf32>,
      %broadcast_in_dim3A_100 = arith.constant 5 : i32
      %broadcast_in_dim3A_101 = vector.broadcast %broadcast_in_dim3A_100 : i32 to vector<16xi32>
      tpu.vector_store_idx %arg11[%broadcast_in_dim3A_101, %add3A_53], %broadcast_in_dim3A_1 : memref<18x640xf32, #tpu.memory_space<vmem>>[vector<16xi32>, vector<16xi32>], vector<16xf32>,
      %broadcast_in_dim3A_102 = arith.constant 6 : i32
      %broadcast_in_dim3A_103 = vector.broadcast %broadcast_in_dim3A_102 : i32 to vector<16xi32>
      tpu.vector_store_idx %arg11[%broadcast_in_dim3A_103, %add3A_53], %broadcast_in_dim3A_1 : memref<18x640xf32, #tpu.memory_space<vmem>>[vector<16xi32>, vector<16xi32>], vector<16xf32>,
      %broadcast_in_dim3A_104 = arith.constant 7 : i32
      %broadcast_in_dim3A_105 = vector.broadcast %broadcast_in_dim3A_104 : i32 to vector<16xi32>
      tpu.vector_store_idx %arg11[%broadcast_in_dim3A_105, %add3A_53], %broadcast_in_dim3A_1 : memref<18x640xf32, #tpu.memory_space<vmem>>[vector<16xi32>, vector<16xi32>], vector<16xf32>,
      %broadcast_in_dim3A_106 = arith.constant 8 : i32
      %broadcast_in_dim3A_107 = vector.broadcast %broadcast_in_dim3A_106 : i32 to vector<16xi32>
      tpu.vector_store_idx %arg11[%broadcast_in_dim3A_107, %add3A_53], %broadcast_in_dim3A_1 : memref<18x640xf32, #tpu.memory_space<vmem>>[vector<16xi32>, vector<16xi32>], vector<16xf32>,
      %broadcast_in_dim3A_108 = arith.constant 9 : i32
      %broadcast_in_dim3A_109 = vector.broadcast %broadcast_in_dim3A_108 : i32 to vector<16xi32>
      tpu.vector_store_idx %arg11[%broadcast_in_dim3A_109, %add3A_53], %broadcast_in_dim3A_1 : memref<18x640xf32, #tpu.memory_space<vmem>>[vector<16xi32>, vector<16xi32>], vector<16xf32>,
      %broadcast_in_dim3A_110 = arith.constant 10 : i32
      %broadcast_in_dim3A_111 = vector.broadcast %broadcast_in_dim3A_110 : i32 to vector<16xi32>
      tpu.vector_store_idx %arg11[%broadcast_in_dim3A_111, %add3A_53], %broadcast_in_dim3A_1 : memref<18x640xf32, #tpu.memory_space<vmem>>[vector<16xi32>, vector<16xi32>], vector<16xf32>,
      %broadcast_in_dim3A_112 = arith.constant 11 : i32
      %broadcast_in_dim3A_113 = vector.broadcast %broadcast_in_dim3A_112 : i32 to vector<16xi32>
      tpu.vector_store_idx %arg11[%broadcast_in_dim3A_113, %add3A_53], %broadcast_in_dim3A_1 : memref<18x640xf32, #tpu.memory_space<vmem>>[vector<16xi32>, vector<16xi32>], vector<16xf32>,
      %broadcast_in_dim3A_114 = arith.constant 12 : i32
      %broadcast_in_dim3A_115 = vector.broadcast %broadcast_in_dim3A_114 : i32 to vector<16xi32>
      tpu.vector_store_idx %arg11[%broadcast_in_dim3A_115, %add3A_53], %broadcast_in_dim3A_1 : memref<18x640xf32, #tpu.memory_space<vmem>>[vector<16xi32>, vector<16xi32>], vector<16xf32>,
      %broadcast_in_dim3A_116 = arith.constant 13 : i32
      %broadcast_in_dim3A_117 = vector.broadcast %broadcast_in_dim3A_116 : i32 to vector<16xi32>
      tpu.vector_store_idx %arg11[%broadcast_in_dim3A_117, %add3A_53], %broadcast_in_dim3A_1 : memref<18x640xf32, #tpu.memory_space<vmem>>[vector<16xi32>, vector<16xi32>], vector<16xf32>,
      %broadcast_in_dim3A_118 = arith.constant 14 : i32
      %broadcast_in_dim3A_119 = vector.broadcast %broadcast_in_dim3A_118 : i32 to vector<16xi32>
      tpu.vector_store_idx %arg11[%broadcast_in_dim3A_119, %add3A_53], %broadcast_in_dim3A_1 : memref<18x640xf32, #tpu.memory_space<vmem>>[vector<16xi32>, vector<16xi32>], vector<16xf32>,
      %broadcast_in_dim3A_120 = arith.constant 15 : i32
      %broadcast_in_dim3A_121 = vector.broadcast %broadcast_in_dim3A_120 : i32 to vector<16xi32>
      tpu.vector_store_idx %arg11[%broadcast_in_dim3A_121, %add3A_53], %broadcast_in_dim3A_1 : memref<18x640xf32, #tpu.memory_space<vmem>>[vector<16xi32>, vector<16xi32>], vector<16xf32>,
      %broadcast_in_dim3A_122 = arith.constant 16 : i32
      %broadcast_in_dim3A_123 = vector.broadcast %broadcast_in_dim3A_122 : i32 to vector<16xi32>
      tpu.vector_store_idx %arg11[%broadcast_in_dim3A_123, %add3A_53], %broadcast_in_dim3A_1 : memref<18x640xf32, #tpu.memory_space<vmem>>[vector<16xi32>, vector<16xi32>], vector<16xf32>,
      %broadcast_in_dim3A_124 = arith.constant 17 : i32
      %broadcast_in_dim3A_125 = vector.broadcast %broadcast_in_dim3A_124 : i32 to vector<16xi32>
      tpu.vector_store_idx %arg11[%broadcast_in_dim3A_125, %add3A_53], %broadcast_in_dim3A_1 : memref<18x640xf32, #tpu.memory_space<vmem>>[vector<16xi32>, vector<16xi32>], vector<16xf32>,
    }
    %scan3A_17 = arith.constant 40 : i32
    %scan3A_18 = arith.constant 0 : i32
    %scan3A_19 = arith.constant 40 : i32
    %scan3A_20 = arith.addi %scan3A_18, %scan3A_19 : i32
    %scan3A_21 = arith.constant 8 : i32
    scf.for %scan3A_49 = %scan3A_18 to %scan3A_20 step %scan3A_21  : i32 {
      %mul3A_50 = arith.constant 16 : i32
      %mul3A_51 = arith.muli %scan3A_49, %mul3A_50 : i32
      %swap3A = arith.index_cast %mul3A_51 : i32 to index
      %swap3A_52 = tpu.vector_load %arg8[%swap3A] {strides = array<i32>} : memref<640xi32, #tpu.memory_space<vmem>>, vector<16xi32>,
      tpu.vector_store %arg8[%swap3A], %broadcast_in_dim3A_5 {strides = array<i32>} : memref<640xi32, #tpu.memory_space<vmem>>, vector<16xi32>,
      %mul3A_53 = arith.constant 16 : i32
      %mul3A_54 = arith.muli %scan3A_49, %mul3A_53 : i32
      %swap3A_55 = arith.index_cast %mul3A_54 : i32 to index
      %swap3A_56 = tpu.vector_load %arg9[%swap3A_55] {strides = array<i32>} : memref<640xi32, #tpu.memory_space<vmem>>, vector<16xi32>,
      tpu.vector_store %arg9[%swap3A_55], %broadcast_in_dim3A_5 {strides = array<i32>} : memref<640xi32, #tpu.memory_space<vmem>>, vector<16xi32>,
      %scan3A_57 = arith.constant 1 : i32
      %scan3A_58 = arith.addi %scan3A_49, %scan3A_57 : i32
      %mul3A_59 = arith.constant 16 : i32
      %mul3A_60 = arith.muli %scan3A_58, %mul3A_59 : i32
      %swap3A_61 = arith.index_cast %mul3A_60 : i32 to index
      %swap3A_62 = tpu.vector_load %arg8[%swap3A_61] {strides = array<i32>} : memref<640xi32, #tpu.memory_space<vmem>>, vector<16xi32>,
      tpu.vector_store %arg8[%swap3A_61], %broadcast_in_dim3A_5 {strides = array<i32>} : memref<640xi32, #tpu.memory_space<vmem>>, vector<16xi32>,
      %mul3A_63 = arith.constant 16 : i32
      %mul3A_64 = arith.muli %scan3A_58, %mul3A_63 : i32
      %swap3A_65 = arith.index_cast %mul3A_64 : i32 to index
      %swap3A_66 = tpu.vector_load %arg9[%swap3A_65] {strides = array<i32>} : memref<640xi32, #tpu.memory_space<vmem>>, vector<16xi32>,
      tpu.vector_store %arg9[%swap3A_65], %broadcast_in_dim3A_5 {strides = array<i32>} : memref<640xi32, #tpu.memory_space<vmem>>, vector<16xi32>,
      %scan3A_67 = arith.constant 2 : i32
      %scan3A_68 = arith.addi %scan3A_49, %scan3A_67 : i32
      %mul3A_69 = arith.constant 16 : i32
      %mul3A_70 = arith.muli %scan3A_68, %mul3A_69 : i32
      %swap3A_71 = arith.index_cast %mul3A_70 : i32 to index
      %swap3A_72 = tpu.vector_load %arg8[%swap3A_71] {strides = array<i32>} : memref<640xi32, #tpu.memory_space<vmem>>, vector<16xi32>,
      tpu.vector_store %arg8[%swap3A_71], %broadcast_in_dim3A_5 {strides = array<i32>} : memref<640xi32, #tpu.memory_space<vmem>>, vector<16xi32>,
      %mul3A_73 = arith.constant 16 : i32
      %mul3A_74 = arith.muli %scan3A_68, %mul3A_73 : i32
      %swap3A_75 = arith.index_cast %mul3A_74 : i32 to index
      %swap3A_76 = tpu.vector_load %arg9[%swap3A_75] {strides = array<i32>} : memref<640xi32, #tpu.memory_space<vmem>>, vector<16xi32>,
      tpu.vector_store %arg9[%swap3A_75], %broadcast_in_dim3A_5 {strides = array<i32>} : memref<640xi32, #tpu.memory_space<vmem>>, vector<16xi32>,
      %scan3A_77 = arith.constant 3 : i32
      %scan3A_78 = arith.addi %scan3A_49, %scan3A_77 : i32
      %mul3A_79 = arith.constant 16 : i32
      %mul3A_80 = arith.muli %scan3A_78, %mul3A_79 : i32
      %swap3A_81 = arith.index_cast %mul3A_80 : i32 to index
      %swap3A_82 = tpu.vector_load %arg8[%swap3A_81] {strides = array<i32>} : memref<640xi32, #tpu.memory_space<vmem>>, vector<16xi32>,
      tpu.vector_store %arg8[%swap3A_81], %broadcast_in_dim3A_5 {strides = array<i32>} : memref<640xi32, #tpu.memory_space<vmem>>, vector<16xi32>,
      %mul3A_83 = arith.constant 16 : i32
      %mul3A_84 = arith.muli %scan3A_78, %mul3A_83 : i32
      %swap3A_85 = arith.index_cast %mul3A_84 : i32 to index
      %swap3A_86 = tpu.vector_load %arg9[%swap3A_85] {strides = array<i32>} : memref<640xi32, #tpu.memory_space<vmem>>, vector<16xi32>,
      tpu.vector_store %arg9[%swap3A_85], %broadcast_in_dim3A_5 {strides = array<i32>} : memref<640xi32, #tpu.memory_space<vmem>>, vector<16xi32>,
      %scan3A_87 = arith.constant 4 : i32
      %scan3A_88 = arith.addi %scan3A_49, %scan3A_87 : i32
      %mul3A_89 = arith.constant 16 : i32
      %mul3A_90 = arith.muli %scan3A_88, %mul3A_89 : i32
      %swap3A_91 = arith.index_cast %mul3A_90 : i32 to index
      %swap3A_92 = tpu.vector_load %arg8[%swap3A_91] {strides = array<i32>} : memref<640xi32, #tpu.memory_space<vmem>>, vector<16xi32>,
      tpu.vector_store %arg8[%swap3A_91], %broadcast_in_dim3A_5 {strides = array<i32>} : memref<640xi32, #tpu.memory_space<vmem>>, vector<16xi32>,
      %mul3A_93 = arith.constant 16 : i32
      %mul3A_94 = arith.muli %scan3A_88, %mul3A_93 : i32
      %swap3A_95 = arith.index_cast %mul3A_94 : i32 to index
      %swap3A_96 = tpu.vector_load %arg9[%swap3A_95] {strides = array<i32>} : memref<640xi32, #tpu.memory_space<vmem>>, vector<16xi32>,
      tpu.vector_store %arg9[%swap3A_95], %broadcast_in_dim3A_5 {strides = array<i32>} : memref<640xi32, #tpu.memory_space<vmem>>, vector<16xi32>,
      %scan3A_97 = arith.constant 5 : i32
      %scan3A_98 = arith.addi %scan3A_49, %scan3A_97 : i32
      %mul3A_99 = arith.constant 16 : i32
      %mul3A_100 = arith.muli %scan3A_98, %mul3A_99 : i32
      %swap3A_101 = arith.index_cast %mul3A_100 : i32 to index
      %swap3A_102 = tpu.vector_load %arg8[%swap3A_101] {strides = array<i32>} : memref<640xi32, #tpu.memory_space<vmem>>, vector<16xi32>,
      tpu.vector_store %arg8[%swap3A_101], %broadcast_in_dim3A_5 {strides = array<i32>} : memref<640xi32, #tpu.memory_space<vmem>>, vector<16xi32>,
      %mul3A_103 = arith.constant 16 : i32
      %mul3A_104 = arith.muli %scan3A_98, %mul3A_103 : i32
      %swap3A_105 = arith.index_cast %mul3A_104 : i32 to index
      %swap3A_106 = tpu.vector_load %arg9[%swap3A_105] {strides = array<i32>} : memref<640xi32, #tpu.memory_space<vmem>>, vector<16xi32>,
      tpu.vector_store %arg9[%swap3A_105], %broadcast_in_dim3A_5 {strides = array<i32>} : memref<640xi32, #tpu.memory_space<vmem>>, vector<16xi32>,
      %scan3A_107 = arith.constant 6 : i32
      %scan3A_108 = arith.addi %scan3A_49, %scan3A_107 : i32
      %mul3A_109 = arith.constant 16 : i32
      %mul3A_110 = arith.muli %scan3A_108, %mul3A_109 : i32
      %swap3A_111 = arith.index_cast %mul3A_110 : i32 to index
      %swap3A_112 = tpu.vector_load %arg8[%swap3A_111] {strides = array<i32>} : memref<640xi32, #tpu.memory_space<vmem>>, vector<16xi32>,
      tpu.vector_store %arg8[%swap3A_111], %broadcast_in_dim3A_5 {strides = array<i32>} : memref<640xi32, #tpu.memory_space<vmem>>, vector<16xi32>,
      %mul3A_113 = arith.constant 16 : i32
      %mul3A_114 = arith.muli %scan3A_108, %mul3A_113 : i32
      %swap3A_115 = arith.index_cast %mul3A_114 : i32 to index
      %swap3A_116 = tpu.vector_load %arg9[%swap3A_115] {strides = array<i32>} : memref<640xi32, #tpu.memory_space<vmem>>, vector<16xi32>,
      tpu.vector_store %arg9[%swap3A_115], %broadcast_in_dim3A_5 {strides = array<i32>} : memref<640xi32, #tpu.memory_space<vmem>>, vector<16xi32>,
      %scan3A_117 = arith.constant 7 : i32
      %scan3A_118 = arith.addi %scan3A_49, %scan3A_117 : i32
      %mul3A_119 = arith.constant 16 : i32
      %mul3A_120 = arith.muli %scan3A_118, %mul3A_119 : i32
      %swap3A_121 = arith.index_cast %mul3A_120 : i32 to index
      %swap3A_122 = tpu.vector_load %arg8[%swap3A_121] {strides = array<i32>} : memref<640xi32, #tpu.memory_space<vmem>>, vector<16xi32>,
      tpu.vector_store %arg8[%swap3A_121], %broadcast_in_dim3A_5 {strides = array<i32>} : memref<640xi32, #tpu.memory_space<vmem>>, vector<16xi32>,
      %mul3A_123 = arith.constant 16 : i32
      %mul3A_124 = arith.muli %scan3A_118, %mul3A_123 : i32
      %swap3A_125 = arith.index_cast %mul3A_124 : i32 to index
      %swap3A_126 = tpu.vector_load %arg9[%swap3A_125] {strides = array<i32>} : memref<640xi32, #tpu.memory_space<vmem>>, vector<16xi32>,
      tpu.vector_store %arg9[%swap3A_125], %broadcast_in_dim3A_5 {strides = array<i32>} : memref<640xi32, #tpu.memory_space<vmem>>, vector<16xi32>,
    }
    %scan3A_22 = arith.constant 40 : i32
    %dma_wait3A = arith.constant 0 : i32
    %dma_wait3A_23 = tpu.memref_slice %arg2[%dma_wait3A] : memref<2000000xi32, #tpu.memory_space<hbm>> -> memref<62720xi32, #tpu.memory_space<hbm>>
    %dma_wait3A_24 = arith.constant 0 : i32
    %dma_wait3A_25 = tpu.memref_slice %arg2[%dma_wait3A_24] : memref<2000000xi32, #tpu.memory_space<hbm>> -> memref<62720xi32, #tpu.memory_space<hbm>>
    tpu.wait_dma2 semaphore(%arg12 : memref<!tpu.dma_semaphore, #tpu.memory_space<semaphore_mem>>) src(%dma_wait3A_25 : memref<62720xi32, #tpu.memory_space<hbm>>) dst(%arg6 : memref<62720xi32, #tpu.memory_space<vmem>>)
    %add3A_26 = arith.constant 0 : i32
    %add3A_27 = arith.addi %mul3A_7, %add3A_26 : i32
    %mul3A_28 = arith.constant 640 : i32
    %mul3A_29 = arith.muli %add3A_27, %mul3A_28 : i32
    %min3A_30 = arith.constant 1937280 : i32
    %min3A_31 = arith.minsi %mul3A_29, %min3A_30 : i32
    %scan3A_32 = arith.constant 0 : i32
    %scan3A_33 = arith.constant 49 : i32
    %scan3A_34 = arith.addi %scan3A_32, %scan3A_33 : i32
    %scan3A_35 = arith.constant 1 : i32
    scf.for %scan3A_49 = %scan3A_32 to %scan3A_34 step %scan3A_35  : i32 {
      %mul3A_50 = arith.constant 2 : i32
      %mul3A_51 = arith.muli %mul3A_50, %scan3A_49 : i32
      %add3A_52 = arith.constant 0 : i32
      %add3A_53 = arith.addi %add3A_52, %mul3A_51 : i32
      %add3A_54 = arith.constant 0 : i32
      %add3A_55 = arith.addi %add3A_53, %add3A_54 : i32
      %add3A_56 = arith.addi %mul3A_7, %add3A_55 : i32
      %lt3A = arith.constant 98 : i32
      %lt3A_57 = arith.cmpi slt, %add3A_55, %lt3A : i32
      %lt3A_58 = arith.constant 3125 : i32
      %lt3A_59 = arith.cmpi slt, %add3A_56, %lt3A_58 : i32
      %and3A = arith.andi %lt3A_57, %lt3A_59 : i1
      %convert_element_type3A = arith.extui %and3A : i1 to i32
      %cond3A = arith.constant 0 : i32
      %cond3A_60 = arith.cmpi ne, %convert_element_type3A, %cond3A : i32
      scf.if %cond3A_60 {
        %ge3A = arith.constant 2 : i32
        %ge3A_76 = arith.cmpi sge, %add3A_55, %ge3A : i32
        %convert_element_type3A_77 = arith.extui %ge3A_76 : i1 to i32
        %cond3A_78 = arith.constant 0 : i32
        %cond3A_79 = arith.cmpi ne, %convert_element_type3A_77, %cond3A_78 : i32
        scf.if %cond3A_79 {
          %dma_wait3A_88 = arith.constant 0 : i32
          %dma_wait3A_89 = arith.constant 0 : i32
          %dma_wait3A_90 = tpu.memref_slice %arg4[%dma_wait3A_88, %dma_wait3A_89] : memref<18x2000000xf32, #tpu.memory_space<hbm>> -> memref<18x640xf32, #tpu.memory_space<hbm>>
          %dma_wait3A_91 = arith.constant 0 : i32
          %dma_wait3A_92 = arith.constant 0 : i32
          %dma_wait3A_93 = tpu.memref_slice %arg4[%dma_wait3A_91, %dma_wait3A_92] : memref<18x2000000xf32, #tpu.memory_space<hbm>> -> memref<18x640xf32, #tpu.memory_space<hbm>>
          tpu.wait_dma2 semaphore(%arg14 : memref<!tpu.dma_semaphore, #tpu.memory_space<semaphore_mem>>) src(%arg10 : memref<18x640xf32, #tpu.memory_space<vmem>>) dst(%dma_wait3A_93 : memref<18x640xf32, #tpu.memory_space<hbm>>)
        } else {
        }
        %mul3A_80 = arith.constant 640 : i32
        %mul3A_81 = arith.muli %add3A_56, %mul3A_80 : i32
        %sub3A = arith.subi %mul3A_81, %min3A_31 : i32
        %parallel_loop3A = arith.constant 0 : i32
        %parallel_loop3A_82 = arith.constant 40 : i32
        %parallel_loop3A_83 = arith.constant 1 : i32
        scf.for %parallel_loop3A_88 = %parallel_loop3A to %parallel_loop3A_82 step %parallel_loop3A_83  : i32 {
          %parallel_loop3A_89 = arith.constant 16 : i32
          %parallel_loop3A_90 = arith.muli %parallel_loop3A_88, %parallel_loop3A_89 : i32
          %parallel_loop3A_91 = vector.broadcast %parallel_loop3A_90 : i32 to vector<16xi32>
          %parallel_loop3A_92 = arith.addi %parallel_loop3A_91, %iota3A : vector<16xi32>
          %parallel_loop3A_93 = arith.constant 16 : i32
          %parallel_loop3A_94 = arith.muli %parallel_loop3A_88, %parallel_loop3A_93 : i32
          %parallel_loop3A_95 = arith.index_cast %parallel_loop3A_94 : i32 to index
          %parallel_loop3A_96 = tpu.vector_load %arg8[%parallel_loop3A_95] {strides = array<i32>} : memref<640xi32, #tpu.memory_space<vmem>>, vector<16xi32>,
          tpu.vector_store_idx %arg10[%parallel_loop3A_96, %parallel_loop3A_92], %broadcast_in_dim3A_1 : memref<18x640xf32, #tpu.memory_space<vmem>>[vector<16xi32>, vector<16xi32>], vector<16xf32>,
          %parallel_loop3A_97 = arith.constant 16 : i32
          %parallel_loop3A_98 = arith.muli %parallel_loop3A_88, %parallel_loop3A_97 : i32
          %parallel_loop3A_99 = arith.addi %sub3A, %parallel_loop3A_98 : i32
          %parallel_loop3A_100 = arith.index_cast %parallel_loop3A_99 : i32 to index
          %parallel_loop3A_101 = tpu.vector_load %arg6[%parallel_loop3A_100] {strides = array<i32>} : memref<62720xi32, #tpu.memory_space<vmem>>, vector<16xi32>,
          %parallel_loop3A_102 = arith.constant 0 : i32
          %parallel_loop3A_103 = arith.constant 118 : i32
          %parallel_loop3A_104 = vector.broadcast %parallel_loop3A_102 : i32 to vector<16xi32>
          %parallel_loop3A_105 = arith.maxsi %parallel_loop3A_104, %parallel_loop3A_101 : vector<16xi32>
          %parallel_loop3A_106 = vector.broadcast %parallel_loop3A_103 : i32 to vector<16xi32>
          %parallel_loop3A_107 = arith.minsi %parallel_loop3A_106, %parallel_loop3A_105 : vector<16xi32>
          %parallel_loop3A_108 = tpu.vector_load_idx %arg5[%parallel_loop3A_107] : memref<119xi32, #tpu.memory_space<vmem>>[vector<16xi32>], vector<16xi32>,
          %parallel_loop3A_109 = arith.constant 0 : i32
          %parallel_loop3A_110 = arith.constant 17 : i32
          %parallel_loop3A_111 = vector.broadcast %parallel_loop3A_109 : i32 to vector<16xi32>
          %parallel_loop3A_112 = arith.maxsi %parallel_loop3A_111, %parallel_loop3A_108 : vector<16xi32>
          %parallel_loop3A_113 = vector.broadcast %parallel_loop3A_110 : i32 to vector<16xi32>
          %parallel_loop3A_114 = arith.minsi %parallel_loop3A_113, %parallel_loop3A_112 : vector<16xi32>
          tpu.vector_store_idx %arg10[%parallel_loop3A_114, %parallel_loop3A_92], %broadcast_in_dim3A_3 : memref<18x640xf32, #tpu.memory_space<vmem>>[vector<16xi32>, vector<16xi32>], vector<16xf32>,
          %parallel_loop3A_115 = arith.constant 16 : i32
          %parallel_loop3A_116 = arith.muli %parallel_loop3A_88, %parallel_loop3A_115 : i32
          %parallel_loop3A_117 = arith.index_cast %parallel_loop3A_116 : i32 to index
          %parallel_loop3A_118 = tpu.vector_load %arg8[%parallel_loop3A_117] {strides = array<i32>} : memref<640xi32, #tpu.memory_space<vmem>>, vector<16xi32>,
          tpu.vector_store %arg8[%parallel_loop3A_117], %parallel_loop3A_114 {strides = array<i32>} : memref<640xi32, #tpu.memory_space<vmem>>, vector<16xi32>,
        } {sc.loop_unroll_factor = 8 : i64, sc.parallel_access}
        %dma_start3A_84 = arith.constant 0 : i32
        %dma_start3A_85 = tpu.memref_slice %arg4[%dma_start3A_84, %mul3A_81] : memref<18x2000000xf32, #tpu.memory_space<hbm>> -> memref<18x640xf32, #tpu.memory_space<hbm>>
        %dma_start3A_86 = arith.constant 0 : i32
        %dma_start3A_87 = tpu.memref_slice %arg4[%dma_start3A_86, %mul3A_81] : memref<18x2000000xf32, #tpu.memory_space<hbm>> -> memref<18x640xf32, #tpu.memory_space<hbm>>
        tpu.enqueue_dma source(%arg10 : memref<18x640xf32, #tpu.memory_space<vmem>>) target(%dma_start3A_87 : memref<18x640xf32, #tpu.memory_space<hbm>>) target_semaphore(%arg14 : memref<!tpu.dma_semaphore, #tpu.memory_space<semaphore_mem>>)
      } else {
      }
      %mul3A_61 = arith.constant 2 : i32
      %mul3A_62 = arith.muli %mul3A_61, %scan3A_49 : i32
      %add3A_63 = arith.constant 0 : i32
      %add3A_64 = arith.addi %add3A_63, %mul3A_62 : i32
      %add3A_65 = arith.constant 1 : i32
      %add3A_66 = arith.addi %add3A_64, %add3A_65 : i32
      %add3A_67 = arith.addi %mul3A_7, %add3A_66 : i32
      %lt3A_68 = arith.constant 98 : i32
      %lt3A_69 = arith.cmpi slt, %add3A_66, %lt3A_68 : i32
      %lt3A_70 = arith.constant 3125 : i32
      %lt3A_71 = arith.cmpi slt, %add3A_67, %lt3A_70 : i32
      %and3A_72 = arith.andi %lt3A_69, %lt3A_71 : i1
      %convert_element_type3A_73 = arith.extui %and3A_72 : i1 to i32
      %cond3A_74 = arith.constant 0 : i32
      %cond3A_75 = arith.cmpi ne, %convert_element_type3A_73, %cond3A_74 : i32
      scf.if %cond3A_75 {
        %ge3A = arith.constant 2 : i32
        %ge3A_76 = arith.cmpi sge, %add3A_66, %ge3A : i32
        %convert_element_type3A_77 = arith.extui %ge3A_76 : i1 to i32
        %cond3A_78 = arith.constant 0 : i32
        %cond3A_79 = arith.cmpi ne, %convert_element_type3A_77, %cond3A_78 : i32
        scf.if %cond3A_79 {
          %dma_wait3A_88 = arith.constant 0 : i32
          %dma_wait3A_89 = arith.constant 0 : i32
          %dma_wait3A_90 = tpu.memref_slice %arg4[%dma_wait3A_88, %dma_wait3A_89] : memref<18x2000000xf32, #tpu.memory_space<hbm>> -> memref<18x640xf32, #tpu.memory_space<hbm>>
          %dma_wait3A_91 = arith.constant 0 : i32
          %dma_wait3A_92 = arith.constant 0 : i32
          %dma_wait3A_93 = tpu.memref_slice %arg4[%dma_wait3A_91, %dma_wait3A_92] : memref<18x2000000xf32, #tpu.memory_space<hbm>> -> memref<18x640xf32, #tpu.memory_space<hbm>>
          tpu.wait_dma2 semaphore(%arg15 : memref<!tpu.dma_semaphore, #tpu.memory_space<semaphore_mem>>) src(%arg11 : memref<18x640xf32, #tpu.memory_space<vmem>>) dst(%dma_wait3A_93 : memref<18x640xf32, #tpu.memory_space<hbm>>)
        } else {
        }
        %mul3A_80 = arith.constant 640 : i32
        %mul3A_81 = arith.muli %add3A_67, %mul3A_80 : i32
        %sub3A = arith.subi %mul3A_81, %min3A_31 : i32
        %parallel_loop3A = arith.constant 0 : i32
        %parallel_loop3A_82 = arith.constant 40 : i32
        %parallel_loop3A_83 = arith.constant 1 : i32
        scf.for %parallel_loop3A_88 = %parallel_loop3A to %parallel_loop3A_82 step %parallel_loop3A_83  : i32 {
          %parallel_loop3A_89 = arith.constant 16 : i32
          %parallel_loop3A_90 = arith.muli %parallel_loop3A_88, %parallel_loop3A_89 : i32
          %parallel_loop3A_91 = vector.broadcast %parallel_loop3A_90 : i32 to vector<16xi32>
          %parallel_loop3A_92 = arith.addi %parallel_loop3A_91, %iota3A : vector<16xi32>
          %parallel_loop3A_93 = arith.constant 16 : i32
          %parallel_loop3A_94 = arith.muli %parallel_loop3A_88, %parallel_loop3A_93 : i32
          %parallel_loop3A_95 = arith.index_cast %parallel_loop3A_94 : i32 to index
          %parallel_loop3A_96 = tpu.vector_load %arg9[%parallel_loop3A_95] {strides = array<i32>} : memref<640xi32, #tpu.memory_space<vmem>>, vector<16xi32>,
          tpu.vector_store_idx %arg11[%parallel_loop3A_96, %parallel_loop3A_92], %broadcast_in_dim3A_1 : memref<18x640xf32, #tpu.memory_space<vmem>>[vector<16xi32>, vector<16xi32>], vector<16xf32>,
          %parallel_loop3A_97 = arith.constant 16 : i32
          %parallel_loop3A_98 = arith.muli %parallel_loop3A_88, %parallel_loop3A_97 : i32
          %parallel_loop3A_99 = arith.addi %sub3A, %parallel_loop3A_98 : i32
          %parallel_loop3A_100 = arith.index_cast %parallel_loop3A_99 : i32 to index
          %parallel_loop3A_101 = tpu.vector_load %arg6[%parallel_loop3A_100] {strides = array<i32>} : memref<62720xi32, #tpu.memory_space<vmem>>, vector<16xi32>,
          %parallel_loop3A_102 = arith.constant 0 : i32
          %parallel_loop3A_103 = arith.constant 118 : i32
          %parallel_loop3A_104 = vector.broadcast %parallel_loop3A_102 : i32 to vector<16xi32>
          %parallel_loop3A_105 = arith.maxsi %parallel_loop3A_104, %parallel_loop3A_101 : vector<16xi32>
          %parallel_loop3A_106 = vector.broadcast %parallel_loop3A_103 : i32 to vector<16xi32>
          %parallel_loop3A_107 = arith.minsi %parallel_loop3A_106, %parallel_loop3A_105 : vector<16xi32>
          %parallel_loop3A_108 = tpu.vector_load_idx %arg5[%parallel_loop3A_107] : memref<119xi32, #tpu.memory_space<vmem>>[vector<16xi32>], vector<16xi32>,
          %parallel_loop3A_109 = arith.constant 0 : i32
          %parallel_loop3A_110 = arith.constant 17 : i32
          %parallel_loop3A_111 = vector.broadcast %parallel_loop3A_109 : i32 to vector<16xi32>
          %parallel_loop3A_112 = arith.maxsi %parallel_loop3A_111, %parallel_loop3A_108 : vector<16xi32>
          %parallel_loop3A_113 = vector.broadcast %parallel_loop3A_110 : i32 to vector<16xi32>
          %parallel_loop3A_114 = arith.minsi %parallel_loop3A_113, %parallel_loop3A_112 : vector<16xi32>
          tpu.vector_store_idx %arg11[%parallel_loop3A_114, %parallel_loop3A_92], %broadcast_in_dim3A_3 : memref<18x640xf32, #tpu.memory_space<vmem>>[vector<16xi32>, vector<16xi32>], vector<16xf32>,
          %parallel_loop3A_115 = arith.constant 16 : i32
          %parallel_loop3A_116 = arith.muli %parallel_loop3A_88, %parallel_loop3A_115 : i32
          %parallel_loop3A_117 = arith.index_cast %parallel_loop3A_116 : i32 to index
          %parallel_loop3A_118 = tpu.vector_load %arg9[%parallel_loop3A_117] {strides = array<i32>} : memref<640xi32, #tpu.memory_space<vmem>>, vector<16xi32>,
          tpu.vector_store %arg9[%parallel_loop3A_117], %parallel_loop3A_114 {strides = array<i32>} : memref<640xi32, #tpu.memory_space<vmem>>, vector<16xi32>,
        } {sc.loop_unroll_factor = 8 : i64, sc.parallel_access}
        %dma_start3A_84 = arith.constant 0 : i32
        %dma_start3A_85 = tpu.memref_slice %arg4[%dma_start3A_84, %mul3A_81] : memref<18x2000000xf32, #tpu.memory_space<hbm>> -> memref<18x640xf32, #tpu.memory_space<hbm>>
        %dma_start3A_86 = arith.constant 0 : i32
        %dma_start3A_87 = tpu.memref_slice %arg4[%dma_start3A_86, %mul3A_81] : memref<18x2000000xf32, #tpu.memory_space<hbm>> -> memref<18x640xf32, #tpu.memory_space<hbm>>
        tpu.enqueue_dma source(%arg11 : memref<18x640xf32, #tpu.memory_space<vmem>>) target(%dma_start3A_87 : memref<18x640xf32, #tpu.memory_space<hbm>>) target_semaphore(%arg15 : memref<!tpu.dma_semaphore, #tpu.memory_space<semaphore_mem>>)
      } else {
      }
    }
    %scan3A_36 = arith.constant 49 : i32
    %dma_wait3A_37 = arith.constant 0 : i32
    %dma_wait3A_38 = arith.constant 0 : i32
    %dma_wait3A_39 = tpu.memref_slice %arg4[%dma_wait3A_37, %dma_wait3A_38] : memref<18x2000000xf32, #tpu.memory_space<hbm>> -> memref<18x640xf32, #tpu.memory_space<hbm>>
    %dma_wait3A_40 = arith.constant 0 : i32
    %dma_wait3A_41 = arith.constant 0 : i32
    %dma_wait3A_42 = tpu.memref_slice %arg4[%dma_wait3A_40, %dma_wait3A_41] : memref<18x2000000xf32, #tpu.memory_space<hbm>> -> memref<18x640xf32, #tpu.memory_space<hbm>>
    tpu.wait_dma2 semaphore(%arg14 : memref<!tpu.dma_semaphore, #tpu.memory_space<semaphore_mem>>) src(%arg10 : memref<18x640xf32, #tpu.memory_space<vmem>>) dst(%dma_wait3A_42 : memref<18x640xf32, #tpu.memory_space<hbm>>)
    %dma_wait3A_43 = arith.constant 0 : i32
    %dma_wait3A_44 = arith.constant 0 : i32
    %dma_wait3A_45 = tpu.memref_slice %arg4[%dma_wait3A_43, %dma_wait3A_44] : memref<18x2000000xf32, #tpu.memory_space<hbm>> -> memref<18x640xf32, #tpu.memory_space<hbm>>
    %dma_wait3A_46 = arith.constant 0 : i32
    %dma_wait3A_47 = arith.constant 0 : i32
    %dma_wait3A_48 = tpu.memref_slice %arg4[%dma_wait3A_46, %dma_wait3A_47] : memref<18x2000000xf32, #tpu.memory_space<hbm>> -> memref<18x640xf32, #tpu.memory_space<hbm>>
    tpu.wait_dma2 semaphore(%arg15 : memref<!tpu.dma_semaphore, #tpu.memory_space<semaphore_mem>>) src(%arg11 : memref<18x640xf32, #tpu.memory_space<vmem>>) dst(%dma_wait3A_48 : memref<18x640xf32, #tpu.memory_space<hbm>>)
    return
  }
}

</mosaic_0001>

<sc_bundles>
// kernel: kernel.3.cloned.1.call-start
scs
__scs_entry_jumppad:
0x0: {  	(pc) =	sbr.rel $0x88, $3  }
0x1: {  	(tag) =	ssettag $0x0;
	lr =	simm.s32 $0x1  }
0x2: {  	[smem:$0x3F9F] =	sst lr;
	_ =	strace $0xD0000000  }
0x3: {  	_ = 	snop  }
0x4: {  	_ = 	snop  }
0x5: {  	_ = 	snop  }
0x6: {  	_ = 	snop  }
0x7: {  	_ = 	snop  }
__scs_overlays_trampoline_lowered:
0x8: {  	[smem:$0x3FAE] =	sst s0  }
0x9: {  	[smem:$0x3FAF] =	sst s1  }
0xa: {  	[smem:$0x3FB0] =	sst s2  }
0xb: {  	[smem:$0x3FB1] =	sst s3  }
0xc: {  	[smem:$0x3FB2] =	sst s4  }
0xd: {  	[smem:$0x3FB3] =	sst s5  }
0xe: {  	[smem:$0x3FB4] =	sst s6  }
0xf: {  	[smem:$0x3FB5] =	sst s7  }
0x10: {  	[smem:$0x3FB6] =	sst s8  }
0x11: {  	[smem:$0x3FB7] =	sst s9;
	s0 =	simm.s32 @!p0 $0x0  }
0x12: {  	s1 =	sld [smem:$0x3F9D];
	s0 =	simm.s32 @p0 $0x1  }
0x13: {  	[smem:$0x3FB8] =	sst s0;
	s0 =	simm.s32 @!p1 $0x0  }
0x14: {  	s2 =	sld [smem:$0x3F9C];
	s0 =	simm.s32 @p1 $0x1  }
0x15: {  	[smem:$0x3FB9] =	sst s0;
	s0 =	simm.s32 @!p2 $0x0  }
0x16: {  	s3 =	sld [smem:$0x3FDB];
	s0 =	simm.s32 @p2 $0x1  }
0x17: {  	s4 =	simm.s32 $0x1BF5;
	[smem:$0x3FBB] =	sst s0  }
0x18: {  	s0 =	sld [smem:$0x3F9E];
	_ =	swait.ge [sflag:s4], $0x0  }
0x19: {  	s7 =	sld [smem:$0x3F9F]  }
0x1a: {  	s8 =	sadd.s32 $0xFFFFE003, lr  }
0x1b: {  	s9 =	sadd.s32 $0xFFFFFEF7, lr;
	s5 =	simm.s32 $0xFFFFFFFF;
	p2 =	slt.u32 s8, $0xFFFFF086  }
0x1c: {  	p1 =	slt.u32 s9, $0xF7A;
	s5 =	simm.s32 @!p2 $0x0  }
0x1d: {  	s5 =	simm.s32 @p1 $0x1;
	p0 =	seq.s32 s7, s2  }
0x1e: {  	s7 =	smul.u32 @!p0 $0xF7A, s2;
	p2 =	seq.s32 @!p0 s5, $0x0  }
0x1f: {  	s9 =	smul.u32 $0xF7A, s1;
	s8 =	simm.s32 @!p0 $0x1BF5;
	p2 =	por !p2, p0  }
0x20: {  	[sflag:s8] =	ssyncset.s32 @!p0 $0xFFFFF086;
	s6 =	sadd.s32 @!p0 s3, s7;
	s7 =	simm.s32 @!p0 $0x108  }
0x21: {  	s3 =	sadd.s32 s3, s9;
	s6 =	sadd.s32 @!p0 $0x88, s6;
	s7 =	simm.s32 @p2 $0x1082  }
0x22: {  	[simem:s7], [sflag:s8] =	dma.local @!p0 [hbm:s6], $0xF7A  }
0x23: {  	s9 =	sor.u32 $0xD0000000, s2;
	s6 =	simm.s32 $0x108;
	_ =	swait.ge @!p0 [sflag:s8], $0x0  }
0x24: {  	s3 =	sadd.s32 $0x88, s3;
	s6 =	simm.s32 @!p1 $0x1082;
	[sflag:s4] =	ssyncset.s32 $0xFFFFF086  }
0x25: {  	[simem:s6], [sflag:s4] =	dma.local [hbm:s3], $0xF7A  }
0x26: {  	[smem:$0x3F9F] =	sst s1;
	(tag) =	ssettag s2;
	_ =	strace s9  }
0x27: {  	s1 =	sld [smem:$0x3FAF]  }
0x28: {  	s2 =	sld [smem:$0x3FB0]  }
0x29: {  	s4 =	sld [smem:$0x3FB2]  }
0x2a: {  	p0 =	seq.s32 s5, $0x0;
	s5 =	sld [smem:$0x3FB3]  }
0x2b: {  	s6 =	sld [smem:$0x3FB4]  }
0x2c: {  	s7 =	sld [smem:$0x3FB5]  }
0x2d: {  	s3 =	simm.s32 $0x108;
	s8 =	sld [smem:$0x3FB6]  }
0x2e: {  	s3 =	simm.s32 @!p0 $0x1082;
	s9 =	sld [smem:$0x3FB7]  }
0x2f: {  	lr =	sadd.s32 s0, s3;
	s0 =	sld [smem:$0x3FAE]  }
0x30: {  	s3 =	sld [smem:$0x3FB1]  }
0x31: {  	[smem:$0x3FBA] =	sst s10  }
0x32: {  	s10 =	sld [smem:$0x3FB8];
	_ =	sdelay $0x3  }
0x33: {  	p0 =	seq.s32 s10, $0x1;
	s10 =	sld [smem:$0x3FBA];
	_ =	sdelay $0x3  }
0x34: {  	[smem:$0x3FBA] =	sst s10  }
0x35: {  	s10 =	sld [smem:$0x3FB9];
	_ =	sdelay $0x3  }
0x36: {  	p1 =	seq.s32 s10, $0x1;
	s10 =	sld [smem:$0x3FBA];
	_ =	sdelay $0x3  }
0x37: {  	[smem:$0x3FBA] =	sst s10  }
0x38: {  	s10 =	sld [smem:$0x3FBB]  }
0x39: {  	_ = 	snop;
	(pc) =	sbr.ind lr, $3  }
0x3a: {  	_ = 	snop  }
0x3b: {  	_ = 	snop  }
0x3c: {  	p2 =	seq.s32 s10, $0x1;
	s10 =	sld [smem:$0x3FBA]  }
0x3d: {  	_ =	shalt  }
0x3e: {  	_ =	shalt  }
0x3f: {  	_ =	shalt  }
0x40: {  	_ =	shalt  }
0x41: {  	_ =	shalt  }
0x42: {  	_ =	shalt  }
0x43: {  	_ =	shalt  }
0x44: {  	_ =	shalt  }
0x45: {  	_ =	shalt  }
0x46: {  	_ =	shalt  }
0x47: {  	_ =	shalt  }
0x48: {  	_ =	shalt  }
0x49: {  	_ =	shalt  }
0x4a: {  	_ =	shalt  }
0x4b: {  	_ =	shalt  }
0x4c: {  	_ =	shalt  }
0x4d: {  	_ =	shalt  }
0x4e: {  	_ =	shalt  }
0x4f: {  	_ =	shalt  }
0x50: {  	_ =	shalt  }
0x51: {  	_ =	shalt  }
0x52: {  	_ =	shalt  }
0x53: {  	_ =	shalt  }
0x54: {  	_ =	shalt  }
0x55: {  	_ =	shalt  }
0x56: {  	_ =	shalt  }
0x57: {  	_ =	shalt  }
0x58: {  	_ =	shalt  }
0x59: {  	_ =	shalt  }
0x5a: {  	_ =	shalt  }
0x5b: {  	_ =	shalt  }
0x5c: {  	_ =	shalt  }
0x5d: {  	_ =	shalt  }
0x5e: {  	_ =	shalt  }
0x5f: {  	_ =	shalt  }
0x60: {  	_ =	shalt  }
0x61: {  	_ =	shalt  }
0x62: {  	_ =	shalt  }
0x63: {  	_ =	shalt  }
0x64: {  	_ =	shalt  }
0x65: {  	_ =	shalt  }
0x66: {  	_ =	shalt  }
0x67: {  	_ =	shalt  }
0x68: {  	_ =	shalt  }
0x69: {  	_ =	shalt  }
0x6a: {  	_ =	shalt  }
0x6b: {  	_ =	shalt  }
0x6c: {  	_ =	shalt  }
0x6d: {  	_ =	shalt  }
0x6e: {  	_ =	shalt  }
0x6f: {  	_ =	shalt  }
0x70: {  	_ =	shalt  }
0x71: {  	_ =	shalt  }
0x72: {  	_ =	shalt  }
0x73: {  	_ =	shalt  }
0x74: {  	_ =	shalt  }
0x75: {  	_ =	shalt  }
0x76: {  	_ =	shalt  }
0x77: {  	_ =	shalt  }
0x78: {  	_ =	shalt  }
0x79: {  	_ =	shalt  }
0x7a: {  	_ =	shalt  }
0x7b: {  	_ =	shalt  }
0x7c: {  	_ =	shalt  }
0x7d: {  	_ =	shalt  }
0x7e: {  	_ =	shalt  }
0x7f: {  	_ =	shalt  }
0x80: {  	_ =	shalt  }
0x81: {  	_ =	shalt  }
0x82: {  	_ =	shalt  }
0x83: {  	_ =	shalt  }
0x84: {  	_ =	shalt  }
0x85: {  	_ =	shalt  }
0x86: {  	_ =	shalt  }
0x87: {  	_ =	shalt  }
.Lfunc_end0:
.L_simem_size_0:
called_computation_lowered:
.L_overlay_start_0:
0x88: {  	s2 =	sld [smem:$0x3FD9]  }
0x89: {  	s3 =	sld [smem:$0x3FFE];
	_ =	sdelay $0x1  }
0x8a: {  	s1 =	srdreg.scid  }
0x8b: {  	s0 =	sand.u32 $0x1, s1  }
0x8c: {  	s18 =	sshll.u32 s0, $0xA;
	s2 =	sadd.s32 s3, s2  }
0x8d: {  	s2 =	sadd.s32 s2, s18  }
0x8e: {  	[smem:$0x3FC6] =	sst s2  }
0x8f: {  	_ = 	snop  }
0x90: {  	s2 =	sld [smem:$0x3FC9]  }
0x91: {  	s19 =	sld [smem:$0x3FC8]  }
0x92: {  	s4 =	sld [smem:$0x3FD0];
	(tm) =	ssettm $0x1  }
0x93: {  	s5 =	sld [smem:$0x3FFB];
	_ =	sdelay $0x3  }
0x94: {  	_ =	strace s5  }
0x95: {  	s5 =	sld [smem:$0x3FFC];
	_ =	sdelay $0x3  }
0x96: {  	_ =	strace s5  }
0x97: {  	s5 =	sld [smem:$0x3FFD];
	_ =	sdelay $0x3  }
0x98: {  	_ =	strace s5  }
0x99: {  	_ =	strace $0x8FFFFFFF  }
0x9a: {  	s20 =	sld [smem:$0x3FDB];
	_ =	sdelay $0x1  }
0x9b: {  	s6 =	simm.s32 $_scs_section_size  }
0x9c: {  	s7 =	simm.s32 $_size__tile_overlayer_lowered;
	s8 =	simm.s32 $_tile_overlayer_lowered  }
0x9d: {  	s23 =	simm.s32 $0x1BFF;
	s22 =	sshll.u32 s8, $0x1;
	s5 =	sadd.s32 s6, s20  }
0x9e: {  	s9 =	simm.s32 $0x0;
	s21 =	sshll.u32 s7, $0x1;
	s7 =	sadd.s32 s22, s5  }
0x9f: {  	[timem:s9], [sflag:s23] =	dma.local [hbm:s7], s21  }
0xa0: {  	_ =	swait.ge [sflag:s23], s21  }
0xa1: {  	s6 =	ssub.s32 $0x0, s21;
	[sflag:s23] =	ssyncset.done $0x0  }
0xa2: {  	[sflag:s23] =	ssyncadd.s32 s6;
	_ =	sdelay $0x1  }
0xa3: {  	s24 =	simm.s32 $0x1B8B  }
0xa4: {  	_ =	swait.ge [sflag:s24], $0x1  }
0xa5: {  	[sflag:s24] =	ssyncset.done $0x0  }
0xa6: {  	s25 =	simm.s32 $0x1B8E;
	[sflag:s24] =	ssyncadd.s32 $0xFFFFFFFF  }
0xa7: {  	s26 =	simm.s32 $execute0_lowered;
	[smem:$0x3FD2] =	sst s25  }
0xa8: {  	s6 =	sshll.u32 s26, $0x1;
	_ =	strace $0x80000046;
	[dreg:$0x1] =	wrdreg $0xFFFFFFFF  }
0xa9: {  	s28 =	simm.s32 $_size_execute0_lowered;
	s5 =	sadd.s32 s5, s6;
	[dreg:$0x0] =	wrdreg $0x0  }
0xaa: {  	s6 =	sshll.u32 s28, $0x1;
	[dreg:$0x2] =	wrdreg s5  }
0xab: {  	[dreg:$0x3] =	wrdreg s6  }
0xac: {  	[dreg:$0x4] =	wrdreg $0xC0  }
0xad: {  	_ =	task [dreg:s9], $0x5FFFF  }
0xae: {  	[dreg:$0x1] =	wrdreg $0xFFFFFFFF  }
0xaf: {  	[dreg:$0x0] =	wrdreg $0x60  }
0xb0: {  	[dreg:$0x2] =	wrdreg s2  }
0xb1: {  	[dreg:$0x3] =	wrdreg s19  }
0xb2: {  	[dreg:$0x4] =	wrdreg s4  }
0xb3: {  	[dreg:$0x5] =	wrdreg $0x9  }
0xb4: {  	_ =	task.clear_ibuf [dreg:s9], $0x6FFFF;
	_ =	strace $0x90000046  }
0xb5: {  	s29 =	simm.s32 $0x9;
	_ =	strace $0x80000048  }
0xb6: {  	_ =	swait.ge [sflag:s29], $0x1  }
0xb7: {  	[sflag:s29] =	ssyncadd.s32 $0xFFFFFFFF  }
0xb8: {  	_ =	strace $0x90000048  }
0xb9: {  	_ =	sfence  }
0xba: {  	s30 =	sld [smem:$0x0];
	_ =	sdelay $0x2  }
0xbb: {  	s31 =	sshll.u32 s1, $0xD;
	s1 =	sshrl.u32 s1, $0x2  }
0xbc: {  	s3 =	sand.u32 $0x4000, s31;
	s1 =	sadd.s32 s1, s30  }
0xbd: {  	s0 =	sor.u32 s3, s0;
	s1 =	sshll.u32 s1, $0x11  }
0xbe: {  	s0 =	sor.u32 s1, s0  }
0xbf: {  	s0 =	sadd.s32 $0x8F2B, s0  }
0xc0: {  	[sflag:s0] =	ssyncadd.remote.s32 $0x1  }
0xc1: {  	_ =	sfence.sel $0xFFFF  }
0xc2: {  	[dreg:$0x0] =	wrdreg $0xFFFFFFFF;
	(pc) =	sbr.abs _section_cstart, $3  }
0xc3: {  	[dreg:$0x1] =	wrdreg $0xFFFFFFFF  }
0xc4: {  	_ =	task.clear_ibuf [dreg:s9], $0x2FFFF;
	_ =	strace $0x9FFFFFFF  }
0xc5: {  	(tm) =	ssettm $0x7FFFFFFF  }
tec
execute0_lowered:
.L_overlay_start_1:
0x0: {  	(tag) =	ssettag $0x1  }
0x1: {  	s0 =	srdreg.scid;
	s6 =	rddreg [dreg:$0x0]  }
0x2: {  	s26 =	stileid.u32;
	s3 =	rddreg [dreg:$0x2];
	s4 =	simm.s32 $0x0  }
0x3: {  	s14 =	simm.s32 $0x1;
	s15 =	simm.s32 $0x1400;
	s16 =	simm.s32 $0xF42400  }
0x4: {  	s17 =	simm.s32 $0x2;
	s18 =	simm.s32 $0x3;
	s10 =	smul.u32 $0xF500, s26  }
0x5: {  	s19 =	simm.s32 $0x0;
	s5 =	sand.u32 $0x1, s0;
	s28 =	smul.u32 $0x3D400, s26  }
0x6: {  	[smem:$0x7FF] =	sst s4;
	s1 =	sshll.u32 s5, $0x4;
	s9 =	smul.u32 $0xF5000, s5  }
0x7: {  	s11 =	smul.u32 $0x3D4000, s5;
	s5 =	ssub.s32 $0x2, s5;
	s7 =	sor.u32 s26, s1  }
0x8: {  	_ =	strace $0x80000047;
	s12 =	sshrl.u32 s5, $0x1;
	s8 =	smul.u32 $0xF500, s7  }
0x9: {  	s9 =	sadd.s32 s10, s9;
	s10 =	sadd.s32 s28, s11;
	s12 =	ssub.s32 s5, s12  }
0xa: {  	s5 =	smul.u32 $0x62, s7;
	s11 =	simm.s32 $0x4;
	s13 =	smin.u32 s9, $0x1D8F80  }
.Ltmp0:
0xb: {  	v0 =	vlaneseq.u32;
	s7 =	smax.u32 s12, $0x1;
	s29 =	sshll.u32 s13, $0x2;
	(pc) =	sbr.rel .LBB2_1-.Ltmp0, $4  }
0xc: {  	v1 =	vimm.f32 $0.0e+00;
	v2 =	vimm.s32 $0x0;
	vm0 =	vcmask $0x300;
	s12 =	simm.s32 $0xFA80;
	s8 =	smin.u32 s8, $0x1D8F80;
	s10 =	ssub.s32 s10, s29  }
0xd: {  	v4 =	vimm.f32 $1.000000000e+00;
	v3 =	vsel vm0, $0xA, v2;
	v5 =	vor.u32 $0x10, v0;
	s9 =	ssub.s32 s9, s13;
	s8 =	sshrl.u32 s8, $0x3;
	s31 =	sadd.s32 $0xBC0, s10  }
0xe: {  	v6 =	vor.u32 $0x20, v0;
	v7 =	vor.u32 $0x30, v0;
	v8 =	vor.u32 $0x40, v0;
	s13 =	simm.s32 $0x13680;
	s30 =	sadd.s32 s6, s8;
	s10 =	sshra.s32 s31, $0x2  }
0xf: {  	v9 =	vor.u32 $0x50, v0;
	v10 =	vor.u32 $0x60, v0;
	v11 =	vor.u32 $0x70, v0;
	s8 =	sadd.s32 $0xC0, s9;
	[dreg:$0x4] =	wrdreg s30;
	s9 =	sadd.s32 $0x80, s10  }
.LBB2_13:
0x10: {  	s19 =	sadd.s32 $0x1, s19  }
0x11: {  	_ =	swait.ge [sflag:s17], $0x3C00;
	p0 =	sne.s32 s19, s7  }
.Ltmp1:
0x12: {  	[sflag:s17] =	ssyncset.done $0x0;
	(pc) =	sbr.rel @!p0 .LBB2_14-.Ltmp1, $4  }
0x13: {  	[sflag:s17] =	ssyncadd.s32 $0xFFFFC400  }
0x14: {  	_ =	swait.ge [sflag:s18], $0x3C00  }
0x15: {  	[sflag:s18] =	ssyncset.done $0x0  }
0x16: {  	[sflag:s18] =	ssyncadd.s32 $0xFFFFC400  }
.LBB2_1:
0x17: {  	v12 =	vmov s4  }
0x18: {  	v13 =	vor.u32 s4, v0;
	s0 =	rddreg [dreg:$0x4];
	s1 =	simm.s32 $0x80;
	v12 =	vshll.u32 v12, $0x3  }
0x19: {  	[tilespmem:s1], [sflag:$0x1] =	stream.linear.gather [hbm4b:s0+s4], $0xF500, $0x38;
	v13 =	vand.u32 $0x7F, v13;
	v14 =	vand.u32 $0x1C00, v12;
	[tilespmem:$0x17280] =	vst v63  }
0x1a: {  	s31 =	rddreg [dreg:$0x1];
	v20 =	vor.u32 v13, v14  }
0x1b: {  	[tilespmem:s4], [sflag:$0x4] =	stream.linear.gather [hbm4b:s31+s4], $0x80, $0x38;
	v21 =	vor.u32 $0x80, v20;
	[tilespmem:$0x17280] =	vst v63  }
0x1c: {  	_ =	swait.ge [sflag:s11], $0x80;
	v22 =	vor.u32 $0x100, v20  }
0x1d: {  	v23 =	vor.u32 $0x180, v20;
	[sflag:s11] =	ssyncset.done $0x0  }
0x1e: {  	v24 =	vor.u32 $0x200, v20;
	[sflag:s11] =	ssyncadd.s32 $0xFFFFFF80  }
0x1f: {  	v25 =	vor.u32 $0x280, v20;
	[tilespmem:v20+s12+$0x0] =	vst.idx.msk $0xffff, v1  }
0x20: {  	v12 =	vor.u32 v13, v12;
	v26 =	vor.u32 $0x300, v20;
	[tilespmem:v21+s12+$0x0] =	vst.idx.msk $0xffff, v1  }
0x21: {  	v27 =	vor.u32 $0x380, v12;
	[tilespmem:v22+s12+$0x0] =	vst.idx.msk $0xffff, v1  }
0x22: {  	v28 =	vadd.s32 $0x1400, v20;
	[tilespmem:v23+s12+$0x0] =	vst.idx.msk $0xffff, v1  }
0x23: {  	v29 =	vadd.s32 $0x1480, v20;
	[tilespmem:v24+s12+$0x0] =	vst.idx.msk $0xffff, v1  }
0x24: {  	v16 =	vadd.s32 $0x1500, v20;
	[tilespmem:v25+s12+$0x0] =	vst.idx.msk $0xffff, v1  }
0x25: {  	v12 =	vadd.s32 $0x1580, v20;
	[tilespmem:v26+s12+$0x0] =	vst.idx.msk $0xffff, v1  }
0x26: {  	v13 =	vadd.s32 $0x1600, v20;
	[tilespmem:v27+s12+$0x0] =	vst.idx.msk $0xffff, v1  }
0x27: {  	v14 =	vadd.s32 $0x1680, v20;
	[tilespmem:v28+s12+$0x0] =	vst.idx.msk $0xffff, v1  }
0x28: {  	v15 =	vadd.s32 $0x1700, v20;
	[tilespmem:v29+s12+$0x0] =	vst.idx.msk $0xffff, v1  }
0x29: {  	v17 =	vadd.s32 $0x1780, v20;
	[tilespmem:v16+s12+$0x0] =	vst.idx.msk $0xffff, v1  }
0x2a: {  	v18 =	vadd.s32 $0x2800, v20;
	[tilespmem:v12+s12+$0x0] =	vst.idx.msk $0xffff, v1  }
0x2b: {  	v19 =	vadd.s32 $0x2880, v20;
	[tilespmem:v13+s12+$0x0] =	vst.idx.msk $0xffff, v1  }
0x2c: {  	[tilespmem:v14+s12+$0x0] =	vst.idx.msk $0xffff, v1  }
0x2d: {  	[tilespmem:v15+s12+$0x0] =	vst.idx.msk $0xffff, v1  }
0x2e: {  	[tilespmem:v17+s12+$0x0] =	vst.idx.msk $0xffff, v1  }
0x2f: {  	[tilespmem:v18+s12+$0x0] =	vst.idx.msk $0xffff, v1  }
0x30: {  	[tilespmem:v19+s12+$0x0] =	vst.idx.msk $0xffff, v1  }
0x31: {  	[tilespmem:v20+s13+$0x0] =	vst.idx.msk $0xffff, v1  }
0x32: {  	[tilespmem:v21+s13+$0x0] =	vst.idx.msk $0xffff, v1  }
0x33: {  	[tilespmem:v22+s13+$0x0] =	vst.idx.msk $0xffff, v1  }
0x34: {  	[tilespmem:v23+s13+$0x0] =	vst.idx.msk $0xffff, v1  }
0x35: {  	[tilespmem:v24+s13+$0x0] =	vst.idx.msk $0xffff, v1  }
0x36: {  	[tilespmem:v25+s13+$0x0] =	vst.idx.msk $0xffff, v1  }
0x37: {  	[tilespmem:v26+s13+$0x0] =	vst.idx.msk $0xffff, v1  }
0x38: {  	[tilespmem:v27+s13+$0x0] =	vst.idx.msk $0xffff, v1  }
0x39: {  	[tilespmem:v28+s13+$0x0] =	vst.idx.msk $0xffff, v1  }
0x3a: {  	s20 =	simm.s32 $0x10;
	[tilespmem:v29+s13+$0x0] =	vst.idx.msk $0xffff, v1  }
.LBB2_2:
0x3b: {  	v20 =	vmov s20;
	p0 =	sne.s32 s20, $0x270;
	[tilespmem:v16+s13+$0x0] =	vst.idx.msk $0xffff, v1;
	s21 =	smov.u32 s20;
	s20 =	sadd.s32 $0x10, s20  }
0x3c: {  	v16 =	vor.u32 s21, v0;
	v20 =	vshll.u32 v20, $0x3;
	[tilespmem:v12+s13+$0x0] =	vst.idx.msk $0xffff, v1  }
0x3d: {  	v12 =	vand.u32 $0x7F, v16;
	v16 =	vand.u32 $0x1C00, v20;
	[tilespmem:v13+s13+$0x0] =	vst.idx.msk $0xffff, v1  }
0x3e: {  	v21 =	vor.u32 v12, v16;
	v12 =	vor.u32 v12, v20;
	[tilespmem:v14+s13+$0x0] =	vst.idx.msk $0xffff, v1  }
0x3f: {  	v20 =	vor.u32 $0x80, v21;
	[tilespmem:v15+s13+$0x0] =	vst.idx.msk $0xffff, v1  }
0x40: {  	v22 =	vor.u32 $0x100, v21;
	[tilespmem:v17+s13+$0x0] =	vst.idx.msk $0xffff, v1  }
0x41: {  	v23 =	vor.u32 $0x180, v21;
	[tilespmem:v18+s13+$0x0] =	vst.idx.msk $0xffff, v1  }
0x42: {  	v24 =	vor.u32 $0x200, v21;
	[tilespmem:v19+s13+$0x0] =	vst.idx.msk $0xffff, v1  }
0x43: {  	v25 =	vor.u32 $0x280, v21;
	[tilespmem:v21+s12+$0x0] =	vst.idx.msk $0xffff, v1  }
0x44: {  	v26 =	vor.u32 $0x300, v21;
	[tilespmem:v20+s12+$0x0] =	vst.idx.msk $0xffff, v1  }
0x45: {  	v27 =	vor.u32 $0x380, v12;
	[tilespmem:v22+s12+$0x0] =	vst.idx.msk $0xffff, v1  }
0x46: {  	v28 =	vadd.s32 $0x1400, v21;
	[tilespmem:v23+s12+$0x0] =	vst.idx.msk $0xffff, v1  }
0x47: {  	v29 =	vadd.s32 $0x1480, v21;
	[tilespmem:v24+s12+$0x0] =	vst.idx.msk $0xffff, v1  }
0x48: {  	v16 =	vadd.s32 $0x1500, v21;
	[tilespmem:v25+s12+$0x0] =	vst.idx.msk $0xffff, v1  }
0x49: {  	v12 =	vadd.s32 $0x1580, v21;
	[tilespmem:v26+s12+$0x0] =	vst.idx.msk $0xffff, v1  }
0x4a: {  	v13 =	vadd.s32 $0x1600, v21;
	[tilespmem:v27+s12+$0x0] =	vst.idx.msk $0xffff, v1  }
0x4b: {  	v14 =	vadd.s32 $0x1680, v21;
	[tilespmem:v28+s12+$0x0] =	vst.idx.msk $0xffff, v1  }
0x4c: {  	v15 =	vadd.s32 $0x1700, v21;
	[tilespmem:v29+s12+$0x0] =	vst.idx.msk $0xffff, v1  }
0x4d: {  	v17 =	vadd.s32 $0x1780, v21;
	[tilespmem:v16+s12+$0x0] =	vst.idx.msk $0xffff, v1  }
0x4e: {  	v18 =	vadd.s32 $0x2800, v21;
	[tilespmem:v12+s12+$0x0] =	vst.idx.msk $0xffff, v1  }
0x4f: {  	v19 =	vadd.s32 $0x2880, v21;
	[tilespmem:v13+s12+$0x0] =	vst.idx.msk $0xffff, v1  }
0x50: {  	[tilespmem:v14+s12+$0x0] =	vst.idx.msk $0xffff, v1  }
0x51: {  	[tilespmem:v15+s12+$0x0] =	vst.idx.msk $0xffff, v1  }
0x52: {  	[tilespmem:v17+s12+$0x0] =	vst.idx.msk $0xffff, v1  }
0x53: {  	[tilespmem:v18+s12+$0x0] =	vst.idx.msk $0xffff, v1  }
0x54: {  	[tilespmem:v19+s12+$0x0] =	vst.idx.msk $0xffff, v1  }
0x55: {  	[tilespmem:v21+s13+$0x0] =	vst.idx.msk $0xffff, v1  }
0x56: {  	[tilespmem:v20+s13+$0x0] =	vst.idx.msk $0xffff, v1  }
0x57: {  	[tilespmem:v22+s13+$0x0] =	vst.idx.msk $0xffff, v1  }
0x58: {  	[tilespmem:v23+s13+$0x0] =	vst.idx.msk $0xffff, v1  }
0x59: {  	[tilespmem:v24+s13+$0x0] =	vst.idx.msk $0xffff, v1  }
.Ltmp2:
0x5a: {  	[tilespmem:v25+s13+$0x0] =	vst.idx.msk $0xffff, v1;
	(pc) =	sbr.rel @p0 .LBB2_2-.Ltmp2, $4  }
0x5b: {  	[tilespmem:v26+s13+$0x0] =	vst.idx.msk $0xffff, v1  }
0x5c: {  	[tilespmem:v27+s13+$0x0] =	vst.idx.msk $0xffff, v1  }
0x5d: {  	[tilespmem:v28+s13+$0x0] =	vst.idx.msk $0xffff, v1  }
0x5e: {  	[tilespmem:v29+s13+$0x0] =	vst.idx.msk $0xffff, v1  }
0x5f: {  	_ =	sdelay $0x3  }
0x60: {  	[tilespmem:v16+s13+$0x0] =	vst.idx.msk $0xffff, v1  }
0x61: {  	[tilespmem:v12+s13+$0x0] =	vst.idx.msk $0xffff, v1  }
0x62: {  	[tilespmem:v13+s13+$0x0] =	vst.idx.msk $0xffff, v1  }
0x63: {  	[tilespmem:v14+s13+$0x0] =	vst.idx.msk $0xffff, v1  }
0x64: {  	[tilespmem:v15+s13+$0x0] =	vst.idx.msk $0xffff, v1  }
0x65: {  	[tilespmem:v17+s13+$0x0] =	vst.idx.msk $0xffff, v1  }
0x66: {  	[tilespmem:v18+s13+$0x0] =	vst.idx.msk $0xffff, v1  }
0x67: {  	[tilespmem:v19+s13+$0x0] =	vst.idx.msk $0xffff, v1  }
0x68: {  	[tilespmem:$0xF580] =	vst v2  }
0x69: {  	[tilespmem:$0xF800] =	vst v2  }
0x6a: {  	[tilespmem:$0xF590] =	vst v2  }
0x6b: {  	[tilespmem:$0xF810] =	vst v2  }
0x6c: {  	[tilespmem:$0xF5A0] =	vst v2  }
0x6d: {  	[tilespmem:$0xF820] =	vst v2  }
0x6e: {  	[tilespmem:$0xF5B0] =	vst v2  }
0x6f: {  	[tilespmem:$0xF830] =	vst v2  }
0x70: {  	[tilespmem:$0xF5C0] =	vst v2  }
0x71: {  	[tilespmem:$0xF840] =	vst v2  }
0x72: {  	[tilespmem:$0xF5D0] =	vst v2  }
0x73: {  	[tilespmem:$0xF850] =	vst v2  }
0x74: {  	[tilespmem:$0xF5E0] =	vst v2  }
0x75: {  	[tilespmem:$0xF860] =	vst v2  }
0x76: {  	[tilespmem:$0xF5F0] =	vst v2  }
0x77: {  	[tilespmem:$0xF870] =	vst v2  }
0x78: {  	[tilespmem:$0xF600] =	vst v2  }
0x79: {  	[tilespmem:$0xF880] =	vst v2  }
0x7a: {  	[tilespmem:$0xF610] =	vst v2  }
0x7b: {  	[tilespmem:$0xF890] =	vst v2  }
0x7c: {  	[tilespmem:$0xF620] =	vst v2  }
0x7d: {  	[tilespmem:$0xF8A0] =	vst v2  }
0x7e: {  	[tilespmem:$0xF630] =	vst v2  }
0x7f: {  	[tilespmem:$0xF8B0] =	vst v2  }
0x80: {  	[tilespmem:$0xF640] =	vst v2  }
0x81: {  	[tilespmem:$0xF8C0] =	vst v2  }
0x82: {  	[tilespmem:$0xF650] =	vst v2  }
0x83: {  	[tilespmem:$0xF8D0] =	vst v2  }
0x84: {  	[tilespmem:$0xF660] =	vst v2  }
0x85: {  	[tilespmem:$0xF8E0] =	vst v2  }
0x86: {  	[tilespmem:$0xF670] =	vst v2  }
0x87: {  	[tilespmem:$0xF8F0] =	vst v2  }
0x88: {  	[tilespmem:$0xF680] =	vst v2  }
0x89: {  	[tilespmem:$0xF900] =	vst v2  }
0x8a: {  	[tilespmem:$0xF690] =	vst v2  }
0x8b: {  	[tilespmem:$0xF910] =	vst v2  }
0x8c: {  	[tilespmem:$0xF6A0] =	vst v2  }
0x8d: {  	[tilespmem:$0xF920] =	vst v2  }
0x8e: {  	[tilespmem:$0xF6B0] =	vst v2  }
0x8f: {  	[tilespmem:$0xF930] =	vst v2  }
0x90: {  	[tilespmem:$0xF6C0] =	vst v2  }
0x91: {  	[tilespmem:$0xF940] =	vst v2  }
0x92: {  	[tilespmem:$0xF6D0] =	vst v2  }
0x93: {  	[tilespmem:$0xF950] =	vst v2  }
0x94: {  	[tilespmem:$0xF6E0] =	vst v2  }
0x95: {  	[tilespmem:$0xF960] =	vst v2  }
0x96: {  	[tilespmem:$0xF6F0] =	vst v2  }
0x97: {  	[tilespmem:$0xF970] =	vst v2  }
0x98: {  	[tilespmem:$0xF700] =	vst v2  }
0x99: {  	[tilespmem:$0xF980] =	vst v2  }
0x9a: {  	[tilespmem:$0xF710] =	vst v2  }
0x9b: {  	[tilespmem:$0xF990] =	vst v2  }
0x9c: {  	[tilespmem:$0xF720] =	vst v2  }
0x9d: {  	[tilespmem:$0xF9A0] =	vst v2  }
0x9e: {  	[tilespmem:$0xF730] =	vst v2  }
0x9f: {  	[tilespmem:$0xF9B0] =	vst v2  }
0xa0: {  	[tilespmem:$0xF740] =	vst v2  }
0xa1: {  	[tilespmem:$0xF9C0] =	vst v2  }
0xa2: {  	[tilespmem:$0xF750] =	vst v2  }
0xa3: {  	[tilespmem:$0xF9D0] =	vst v2  }
0xa4: {  	[tilespmem:$0xF760] =	vst v2  }
0xa5: {  	[tilespmem:$0xF9E0] =	vst v2  }
0xa6: {  	[tilespmem:$0xF770] =	vst v2  }
0xa7: {  	[tilespmem:$0xF9F0] =	vst v2  }
0xa8: {  	[tilespmem:$0xF780] =	vst v2  }
0xa9: {  	[tilespmem:$0xFA00] =	vst v2  }
0xaa: {  	[tilespmem:$0xF790] =	vst v2  }
0xab: {  	[tilespmem:$0xFA10] =	vst v2  }
0xac: {  	[tilespmem:$0xF7A0] =	vst v2  }
0xad: {  	[tilespmem:$0xFA20] =	vst v2  }
0xae: {  	[tilespmem:$0xF7B0] =	vst v2  }
0xaf: {  	[tilespmem:$0xFA30] =	vst v2  }
0xb0: {  	[tilespmem:$0xF7C0] =	vst v2  }
0xb1: {  	[tilespmem:$0xFA40] =	vst v2  }
0xb2: {  	[tilespmem:$0xF7D0] =	vst v2  }
0xb3: {  	[tilespmem:$0xFA50] =	vst v2  }
0xb4: {  	[tilespmem:$0xF7E0] =	vst v2  }
0xb5: {  	[tilespmem:$0xFA60] =	vst v2  }
.Ltmp3:
0xb6: {  	[tilespmem:$0xF7F0] =	vst v2;
	(pc) =	sbr.rel .LBB2_4-.Ltmp3, $4  }
0xb7: {  	[tilespmem:$0xFA70] =	vst v2  }
0xb8: {  	_ =	swait.ge [sflag:s14], $0xF500  }
0xb9: {  	s20 =	simm.s32 $0x0;
	[sflag:s14] =	ssyncset.done $0x0  }
0xba: {  	s21 =	smov.u32 s9;
	s22 =	smov.u32 s8;
	[sflag:s14] =	ssyncadd.s32 $0xFFFF0B00  }
.LBB2_12:
0xbb: {  	s20 =	sadd.s32 $0x1, s20  }
0xbc: {  	p0 =	sne.s32 s20, $0x31  }
.Ltmp4:
0xbd: {  	_ = 	snop;
	(pc) =	sbr.rel @!p0 .LBB2_13-.Ltmp4, $2  }
0xbe: {  	_ =	sdelay $0x2  }
0xbf: {  	s22 =	sadd.s32 $0x500, s22;
	s21 =	sadd.s32 $0x500, s21  }
.LBB2_4:
0xc0: {  	s23 =	sshll.u32 s20, $0x1  }
0xc1: {  	s29 =	sadd.s32 s5, s23  }
0xc2: {  	p1 =	sgt.u32 s29, $0xC34  }
.Ltmp5:
0xc3: {  	_ = 	snop;
	(pc) =	sbr.rel @p1 .LBB2_8-.Ltmp5, $2  }
0xc4: {  	_ =	sdelay $0x2  }
0xc5: {  	p0 =	seq.s32 s20, $0x0  }
0xc6: {  	s24 =	simm.s32 @!p0 $0x2  }
0xc7: {  	_ =	swait.ge @!p0 [sflag:s24], $0x3C00  }
0xc8: {  	[sflag:s24] =	ssyncset.done @!p0 $0x0  }
0xc9: {  	[sflag:s24] =	ssyncadd.s32 @!p0 $0xFFFFC400;
	s24 =	simm.s32 $0xF5C0  }
0xca: {  	v13 =	vld [tilespmem:s24+$0x30]  }
0xcb: {  	s25 =	simm.s32 $0x70;
	s26 =	simm.s32 $0x10;
	v16 =	vld [tilespmem:s24+$0xFFFFFFD0]  }
0xcc: {  	s28 =	simm.s32 $0x20;
	s30 =	simm.s32 $0x30;
	s2 =	simm.s32 $0x0;
	v12 =	vmov s25;
	v15 =	vmov s26;
	v19 =	vld [tilespmem:s24+$0xFFFFFFE0]  }
0xcd: {  	s6 =	simm.s32 $0x40;
	s10 =	simm.s32 $0x50;
	s1 =	simm.s32 $0xE0;
	v17 =	vmov s28;
	v18 =	vmov s30;
	v21 =	vmov s2;
	v22 =	vld [tilespmem:s24+$0xFFFFFFF0]  }
0xce: {  	s28 =	simm.s32 $0x60;
	v23 =	vmov s6;
	v24 =	vmov s10;
	v47 =	vmov s1;
	v29 =	vld [tilespmem:s24+$0x0]  }
0xcf: {  	v12 =	vshrl.u32 v12, $0x7;
	v25 =	vmov s28;
	v21 =	vshrl.u32 v21, $0x7;
	v31 =	vld [tilespmem:s24+$0x10]  }
0xd0: {  	v15 =	vshrl.u32 v15, $0x7;
	v17 =	vshrl.u32 v17, $0x7;
	v18 =	vshrl.u32 v18, $0x7;
	v32 =	vld [tilespmem:s24+$0x20]  }
0xd1: {  	v12 =	vshll.u32 v12, v3;
	v21 =	vshll.u32 v21, v3;
	v15 =	vshll.u32 v15, v3  }
0xd2: {  	v17 =	vshll.u32 v17, v3;
	v18 =	vshll.u32 v18, v3;
	v12 =	vbroadcast v12, $0x0  }
0xd3: {  	v20 =	vshrl.u32 v13, $0x3;
	v13 =	vshll.u32 v13, $0x7;
	v26 =	vshrl.u32 v16, $0x3  }
0xd4: {  	v27 =	vshrl.u32 v19, $0x3;
	v28 =	vshrl.u32 v22, $0x3;
	v30 =	vshrl.u32 v29, $0x3  }
0xd5: {  	v14 =	vld [tilespmem:s24+$0xFFFFFFC0];
	v33 =	vshrl.u32 v31, $0x3;
	v34 =	vshrl.u32 v32, $0x3;
	v20 =	vmul.u32 $0x1400, v20  }
0xd6: {  	v13 =	vand.u32 $0x380, v13;
	v37 =	vmul.u32 $0x1400, v26;
	v38 =	vmul.u32 $0x1400, v27  }
0xd7: {  	v39 =	vmul.u32 $0x1400, v28;
	v40 =	vmul.u32 $0x1400, v30;
	v33 =	vmul.u32 $0x1400, v33  }
0xd8: {  	v28 =	vbroadcast v15, $0x0;
	v27 =	vbroadcast v17, $0x0;
	v20 =	vadd.s32 v12, v20  }
0xd9: {  	v13 =	vor.u32 v13, v20;
	v20 =	vshrl.u32 v23, $0x7;
	v23 =	vshrl.u32 v24, $0x7  }
0xda: {  	v24 =	vshrl.u32 v25, $0x7;
	v25 =	vshrl.u32 v14, $0x3;
	v13 =	vor.u32 v11, v13  }
0xdb: {  	v15 =	vshll.u32 v16, $0x7;
	v35 =	vmul.u32 $0x1400, v25;
	v25 =	vbroadcast v18, $0x0  }
0xdc: {  	v30 =	vbroadcast v21, $0x0;
	v17 =	vshll.u32 v22, $0x7;
	v15 =	vand.u32 $0x380, v15  }
0xdd: {  	v17 =	vand.u32 $0x380, v17;
	v21 =	vadd.s32 v27, v38;
	v22 =	vadd.s32 v25, v39  }
0xde: {  	v14 =	vshll.u32 v14, $0x7;
	v18 =	vshll.u32 v29, $0x7;
	v17 =	vor.u32 v17, v22  }
0xdf: {  	v14 =	vand.u32 $0x380, v14;
	v18 =	vand.u32 $0x380, v18;
	v17 =	vor.u32 v7, v17;
	[tilespmem:v13+s12+$0x0] =	vst.idx.msk $0xffff, v1  }
0xe0: {  	v13 =	vshll.u32 v20, v3;
	v20 =	vshll.u32 v23, v3;
	v23 =	vshll.u32 v24, v3  }
0xe1: {  	v26 =	vbroadcast v13, $0x0;
	v13 =	vshll.u32 v19, $0x7;
	v19 =	vadd.s32 v30, v35  }
0xe2: {  	v36 =	vld [tilespmem:s22+$0x30];
	v24 =	vbroadcast v20, $0x0;
	v20 =	vadd.s32 v28, v37;
	v14 =	vor.u32 v14, v19  }
0xe3: {  	s25 =	simm.s32 $0xF640;
	v13 =	vand.u32 $0x380, v13;
	v15 =	vor.u32 v15, v20;
	v14 =	vor.u32 v0, v14  }
0xe4: {  	v42 =	vld [tilespmem:s25+$0xFFFFFFE0];
	v29 =	vadd.s32 v26, v40;
	v13 =	vor.u32 v13, v21;
	v15 =	vor.u32 v5, v15  }
0xe5: {  	v44 =	vld [tilespmem:s25+$0xFFFFFFF0];
	v34 =	vmul.u32 $0x1400, v34;
	v13 =	vor.u32 v6, v13;
	v18 =	vor.u32 v18, v29  }
0xe6: {  	v46 =	vld [tilespmem:s25+$0x0];
	v23 =	vbroadcast v23, $0x0;
	v19 =	vshll.u32 v31, $0x7;
	v18 =	vor.u32 v8, v18  }
0xe7: {  	v51 =	vld [tilespmem:s25+$0x20];
	v20 =	vadd.s32 v24, v33;
	v19 =	vand.u32 $0x380, v19;
	[tilespmem:v17+s12+$0x0] =	vst.idx.msk $0xffff, v1;
	vm0 =	vgt.s32 v36, $0x0  }
0xe8: {  	v21 =	vshll.u32 v32, $0x7;
	v19 =	vor.u32 v19, v20;
	v17 =	vld [tilespmem:s22+$0xFFFFFFF0];
	v16 =	vnsel vm0, $0x0, v36;
	[tilespmem:v14+s12+$0x0] =	vst.idx.msk $0xffff, v1  }
0xe9: {  	v20 =	vand.u32 $0x380, v21;
	v16 =	vmin.u32 v16, $0x76;
	v14 =	vadd.s32 v23, v34;
	[tilespmem:v15+s12+$0x0] =	vst.idx.msk $0xffff, v1;
	v21 =	vld [tilespmem:s22+$0xFFFFFFC0]  }
0xea: {  	v47 =	vshrl.u32 v47, $0x7;
	v19 =	vor.u32 v9, v19;
	v14 =	vor.u32 v20, v14;
	v15 =	vld [tilespmem:s22+$0xFFFFFFD0];
	[tilespmem:v13+s12+$0x0] =	vst.idx.msk $0xffff, v1  }
0xeb: {  	v47 =	vshll.u32 v47, v3;
	v53 =	vshrl.u32 v42, $0x3;
	v13 =	vor.u32 v10, v14;
	v14 =	vld [tilespmem:s22+$0xFFFFFFE0];
	[tilespmem:v18+s12+$0x0] =	vst.idx.msk $0xffff, v1  }
0xec: {  	v54 =	vshrl.u32 v44, $0x3;
	v55 =	vshrl.u32 v46, $0x3;
	v60 =	vshrl.u32 v51, $0x3;
	v18 =	vld [tilespmem:s22+$0x0]  }
0xed: {  	v42 =	vshll.u32 v42, $0x7;
	v44 =	vshll.u32 v44, $0x7;
	vm12 =	vgt.s32 v17, $0x0  }
0xee: {  	v46 =	vshll.u32 v46, $0x7;
	v17 =	vnsel vm12, $0x0, v17;
	v16 =	vld.idx.msk [tilespmem:v16+s4+$0x0], $0xffff;
	vm9 =	vgt.s32 v21, $0x0  }
0xef: {  	[tilespmem:v19+s12+$0x0] =	vst.idx.msk $0xffff, v1;
	v17 =	vmin.u32 v17, $0x76;
	vm10 =	vgt.s32 v15, $0x0;
	v20 =	vnsel vm9, $0x0, v21  }
0xf0: {  	v19 =	vld [tilespmem:s22+$0x10];
	[tilespmem:v13+s12+$0x0] =	vst.idx.msk $0xffff, v1;
	v15 =	vnsel vm10, $0x0, v15;
	vm11 =	vgt.s32 v14, $0x0;
	v13 =	vmin.u32 v20, $0x76  }
0xf1: {  	v15 =	vmin.u32 v15, $0x76;
	v14 =	vnsel vm11, $0x0, v14;
	vm13 =	vgt.s32 v18, $0x0  }
0xf2: {  	v53 =	vmul.u32 $0x1400, v53;
	v20 =	vld [tilespmem:s22+$0x20];
	v14 =	vmin.u32 v14, $0x76;
	v18 =	vnsel vm13, $0x0, v18  }
0xf3: {  	v63 =	vld [tilespmem:s25+$0xFFFFFFC0];
	v54 =	vmul.u32 $0x1400, v54;
	vm14 =	vgt.s32 v16, $0x0;
	v18 =	vmin.u32 v18, $0x76  }
0xf4: {  	v55 =	vmul.u32 $0x1400, v55;
	v42 =	vand.u32 $0x380, v42;
	v17 =	vld.idx.msk [tilespmem:v17+s4+$0x0], $0xffff;
	v16 =	vnsel vm14, $0x0, v16  }
0xf5: {  	v44 =	vand.u32 $0x380, v44;
	vm15 =	vgt.s32 v19, $0x0;
	v32 =	vmin.u32 v16, $0x11;
	v13 =	vld.idx.msk [tilespmem:v13+s4+$0x0], $0xffff  }
0xf6: {  	v46 =	vand.u32 $0x380, v46;
	v16 =	vnsel vm15, $0x0, v19;
	v19 =	vshrl.u32 v32, $0x3;
	v15 =	vld.idx.msk [tilespmem:v15+s4+$0x0], $0xffff  }
0xf7: {  	vm4 =	vgt.s32 v20, $0x0;
	v16 =	vmin.u32 v16, $0x76;
	v19 =	vmul.u32 $0x1400, v19;
	v14 =	vld.idx.msk [tilespmem:v14+s4+$0x0], $0xffff  }
0xf8: {  	v36 =	vshll.u32 v63, $0x7;
	v21 =	vshll.u32 v32, $0x7;
	v20 =	vnsel vm4, $0x0, v20;
	v18 =	vld.idx.msk [tilespmem:v18+s4+$0x0], $0xffff  }
0xf9: {  	v20 =	vmin.u32 v20, $0x76;
	v12 =	vadd.s32 v12, v19;
	v19 =	vand.u32 $0x380, v21  }
0xfa: {  	v36 =	vand.u32 $0x380, v36;
	vm8 =	vgt.s32 v17, $0x0;
	v12 =	vor.u32 v19, v12  }
0xfb: {  	s26 =	simm.s32 $0xF0;
	vm5 =	vgt.s32 v13, $0x0;
	v34 =	vor.u32 v11, v12;
	vm6 =	vgt.s32 v15, $0x0  }
0xfc: {  	v16 =	vld.idx.msk [tilespmem:v16+s4+$0x0], $0xffff;
	v12 =	vnsel vm5, $0x0, v13;
	vm7 =	vgt.s32 v14, $0x0;
	v13 =	vmov s26  }
0xfd: {  	v19 =	vld [tilespmem:s25+$0x30];
	v33 =	vmin.u32 v12, $0x11;
	v12 =	vnsel vm6, $0x0, v15;
	vm9 =	vgt.s32 v18, $0x0  }
0xfe: {  	v20 =	vld.idx.msk [tilespmem:v20+s4+$0x0], $0xffff;
	v13 =	vshrl.u32 v13, $0x7;
	v31 =	vmin.u32 v12, $0x11;
	v12 =	vnsel vm7, $0x0, v14  }
0xff: {  	v13 =	vshll.u32 v13, v3;
	v29 =	vmin.u32 v12, $0x11;
	v12 =	vnsel vm8, $0x0, v17  }
0x100: {  	v35 =	vbroadcast v13, $0x0;
	v17 =	vshrl.u32 v33, $0x3;
	v15 =	vmin.u32 v12, $0x11  }
0x101: {  	v12 =	vnsel vm9, $0x0, v18;
	vm10 =	vgt.s32 v16, $0x0;
	v37 =	vmul.u32 $0x1400, v17  }
0x102: {  	v12 =	vmin.u32 v12, $0x11;
	v14 =	vnsel vm10, $0x0, v16;
	v16 =	vshrl.u32 v19, $0x3  }
0x103: {  	vm11 =	vgt.s32 v20, $0x0;
	v16 =	vmul.u32 $0x1400, v16;
	v13 =	vmin.u32 v14, $0x11  }
0x104: {  	v14 =	vshll.u32 v19, $0x7;
	v19 =	vshrl.u32 v31, $0x3;
	v21 =	vshrl.u32 v12, $0x3  }
0x105: {  	v30 =	vadd.s32 v30, v37;
	v18 =	vnsel vm11, $0x0, v20;
	v14 =	vand.u32 $0x380, v14  }
0x106: {  	s31 =	simm.s32 $0xB0;
	v20 =	vshrl.u32 v29, $0x3;
	v22 =	vshrl.u32 v13, $0x3;
	v38 =	vmul.u32 $0x1400, v19  }
0x107: {  	s30 =	simm.s32 $0xA0;
	v41 =	vmul.u32 $0x1400, v21;
	v21 =	vmov s31;
	v16 =	vadd.s32 v35, v16  }
0x108: {  	v39 =	vmul.u32 $0x1400, v20;
	v43 =	vmul.u32 $0x1400, v22;
	v20 =	vmov s30  }
0x109: {  	v21 =	vshrl.u32 v21, $0x7;
	v16 =	vor.u32 v14, v16;
	v14 =	vmin.u32 v18, $0x11  }
0x10a: {  	v19 =	vld [tilespmem:s25+$0xFFFFFFD0];
	v18 =	vshrl.u32 v15, $0x3;
	v20 =	vshrl.u32 v20, $0x7;
	v57 =	vshll.u32 v21, v3  }
0x10b: {  	s28 =	simm.s32 $0x90;
	v28 =	vadd.s32 v28, v38;
	v16 =	vor.u32 v11, v16;
	v17 =	vshrl.u32 v14, $0x3  }
0x10c: {  	s30 =	simm.s32 $0x80;
	v40 =	vmul.u32 $0x1400, v18;
	v18 =	vmov s28;
	s28 =	simm.s32 $0xC0;
	v20 =	vshll.u32 v20, v3  }
0x10d: {  	v45 =	vmul.u32 $0x1400, v17;
	v17 =	vmov s30;
	v22 =	vmov s28  }
0x10e: {  	v49 =	vld [tilespmem:s25+$0x10];
	v18 =	vshrl.u32 v18, $0x7;
	v21 =	vbroadcast v20, $0x0;
	v20 =	vbroadcast v57, $0x0  }
0x10f: {  	s31 =	simm.s32 $0xD0;
	v17 =	vshrl.u32 v17, $0x7;
	v22 =	vshrl.u32 v22, $0x7;
	v52 =	vshrl.u32 v19, $0x3  }
0x110: {  	v18 =	vshll.u32 v18, v3;
	v17 =	vshll.u32 v17, v3;
	[tilespmem:v16+s12+$0x0] =	vst.idx.msk $0xffff, v1;
	v16 =	vmov s31  }
0x111: {  	s28 =	sadd.s32 $0x80, s22;
	v58 =	vshll.u32 v22, v3;
	v50 =	vshrl.u32 v16, $0x7;
	v16 =	vshrl.u32 v63, $0x3  }
0x112: {  	v52 =	vmul.u32 $0x1400, v52;
	v22 =	vbroadcast v18, $0x0;
	v48 =	vld [tilespmem:s28+$0x30];
	v56 =	vmul.u32 $0x1400, v16  }
0x113: {  	v16 =	vbroadcast v17, $0x0;
	v17 =	vshrl.u32 v49, $0x3;
	v50 =	vshll.u32 v50, v3  }
0x114: {  	v26 =	vadd.s32 v26, v41;
	v59 =	vmul.u32 $0x1400, v17;
	v18 =	vbroadcast v50, $0x0  }
0x115: {  	v50 =	vadd.s32 v22, v52;
	v52 =	vadd.s32 v20, v54;
	v56 =	vadd.s32 v16, v56  }
0x116: {  	v17 =	vbroadcast v47, $0x0;
	v44 =	vor.u32 v44, v52;
	v36 =	vor.u32 v36, v56  }
0x117: {  	v56 =	vmul.u32 $0x1400, v60;
	v60 =	vshll.u32 v19, $0x7;
	vm12 =	vgt.s32 v48, $0x0  }
0x118: {  	v44 =	vor.u32 v7, v44;
	v63 =	vand.u32 $0x380, v60;
	v48 =	vnsel vm12, $0x0, v48  }
0x119: {  	v19 =	vbroadcast v58, $0x0;
	v50 =	vor.u32 v63, v50;
	v47 =	vmin.u32 v48, $0x76  }
0x11a: {  	v48 =	vshll.u32 v49, $0x7;
	v49 =	vshll.u32 v51, $0x7;
	v51 =	vadd.s32 v21, v53  }
0x11b: {  	v53 =	vadd.s32 v19, v55;
	v50 =	vor.u32 v5, v50;
	v42 =	vor.u32 v42, v51  }
0x11c: {  	v37 =	vshll.u32 v14, $0x7;
	v46 =	vor.u32 v46, v53;
	v42 =	vor.u32 v6, v42  }
0x11d: {  	v61 =	vadd.s32 v18, v59;
	v48 =	vand.u32 $0x380, v48;
	v46 =	vor.u32 v8, v46;
	[tilespmem:v44+s12+$0x0] =	vst.idx.msk $0xffff, v1  }
0x11e: {  	v27 =	vadd.s32 v27, v39;
	v25 =	vadd.s32 v25, v40;
	v48 =	vor.u32 v48, v61;
	v40 =	vld [tilespmem:s28+$0xFFFFFFF0]  }
0x11f: {  	v24 =	vadd.s32 v24, v43;
	v23 =	vadd.s32 v23, v45;
	v48 =	vor.u32 v9, v48;
	v47 =	vld.idx.msk [tilespmem:v47+s4+$0x0], $0xffff  }
0x120: {  	v54 =	vshll.u32 v15, $0x7;
	v52 =	vshll.u32 v31, $0x7;
	v36 =	vor.u32 v0, v36;
	[tilespmem:v50+s12+$0x0] =	vst.idx.msk $0xffff, v1  }
0x121: {  	v62 =	vadd.s32 v17, v56;
	v55 =	vshll.u32 v13, $0x7;
	v49 =	vand.u32 $0x380, v49;
	v38 =	vld [tilespmem:s28+$0xFFFFFFD0];
	[tilespmem:v42+s12+$0x0] =	vst.idx.msk $0xffff, v1  }
0x122: {  	v51 =	vshll.u32 v33, $0x7;
	v53 =	vshll.u32 v29, $0x7;
	v49 =	vor.u32 v49, v62;
	[tilespmem:v46+s12+$0x0] =	vst.idx.msk $0xffff, v1;
	v39 =	vld [tilespmem:s28+$0xFFFFFFE0]  }
0x123: {  	v55 =	vand.u32 $0x380, v55;
	v57 =	vand.u32 $0x380, v51;
	v49 =	vor.u32 v10, v49;
	v63 =	vld [tilespmem:s28+$0x0]  }
0x124: {  	v24 =	vor.u32 v55, v24;
	[tilespmem:v48+s12+$0x0] =	vst.idx.msk $0xffff, v1;
	vm5 =	vgt.s32 v40, $0x0;
	vm13 =	vgt.s32 v47, $0x0  }
0x125: {  	[tilespmem:v36+s12+$0x0] =	vst.idx.msk $0xffff, v1;
	v30 =	vor.u32 v57, v30;
	v58 =	vld [tilespmem:s28+$0x10];
	v40 =	vnsel vm5, $0x0, v40;
	v47 =	vnsel vm13, $0x0, v47  }
0x126: {  	v56 =	vld [tilespmem:s28+$0xFFFFFFC0];
	v40 =	vmin.u32 v40, $0x76;
	vm15 =	vgt.s32 v38, $0x0;
	v36 =	vmin.u32 v47, $0x11  }
0x127: {  	v38 =	vnsel vm15, $0x0, v38;
	v59 =	vshrl.u32 v36, $0x3;
	v61 =	vshll.u32 v36, $0x7  }
0x128: {  	[tilespmem:v49+s12+$0x0] =	vst.idx.msk $0xffff, v1;
	vm4 =	vgt.s32 v39, $0x0;
	v38 =	vmin.u32 v38, $0x76;
	vm6 =	vgt.s32 v63, $0x0  }
0x129: {  	v60 =	vmul.u32 $0x1400, v59;
	v62 =	vand.u32 $0x380, v61;
	v61 =	vld [tilespmem:s28+$0x20];
	v39 =	vnsel vm4, $0x0, v39  }
0x12a: {  	v42 =	vnsel vm6, $0x0, v63;
	vm7 =	vgt.s32 v58, $0x0;
	v39 =	vmin.u32 v39, $0x76  }
0x12b: {  	vm14 =	vgt.s32 v56, $0x0;
	v42 =	vmin.u32 v42, $0x76;
	v43 =	vnsel vm7, $0x0, v58  }
0x12c: {  	v35 =	vadd.s32 v35, v60;
	v60 =	vnsel vm14, $0x0, v56;
	v43 =	vmin.u32 v43, $0x76  }
0x12d: {  	v41 =	vor.u32 v0, v30;
	v47 =	vshll.u32 v12, $0x7;
	v40 =	vld.idx.msk [tilespmem:v40+s4+$0x0], $0xffff;
	v45 =	vmin.u32 v60, $0x76  }
0x12e: {  	v59 =	vand.u32 $0x380, v52;
	v63 =	vand.u32 $0x380, v54;
	v38 =	vld.idx.msk [tilespmem:v38+s4+$0x0], $0xffff;
	vm8 =	vgt.s32 v61, $0x0  }
0x12f: {  	v54 =	vand.u32 $0x380, v47;
	v28 =	vor.u32 v59, v28;
	v46 =	vnsel vm8, $0x0, v61;
	v57 =	vld.idx.msk [tilespmem:v39+s4+$0x0], $0xffff  }
0x130: {  	[tilespmem:v34+s12+$0x0] =	vst.idx.msk $0xffff, v4;
	v35 =	vor.u32 v62, v35;
	v62 =	vand.u32 $0x380, v53;
	v42 =	vld.idx.msk [tilespmem:v42+s4+$0x0], $0xffff;
	v53 =	vmin.u32 v46, $0x76  }
0x131: {  	v25 =	vor.u32 v63, v25;
	v58 =	vor.u32 v54, v26;
	v56 =	vand.u32 $0x380, v37;
	v60 =	vld.idx.msk [tilespmem:v43+s4+$0x0], $0xffff  }
0x132: {  	v28 =	vor.u32 v5, v28;
	v26 =	vor.u32 v7, v25;
	v30 =	vor.u32 v8, v58;
	v52 =	vld.idx.msk [tilespmem:v45+s4+$0x0], $0xffff  }
0x133: {  	v23 =	vor.u32 v56, v23;
	v44 =	vor.u32 v11, v35;
	v27 =	vor.u32 v62, v27  }
0x134: {  	[tilespmem:s24+$0x30] =	vst v32;
	v35 =	vor.u32 v9, v24;
	v34 =	vor.u32 v10, v23;
	vm12 =	vgt.s32 v40, $0x0  }
0x135: {  	[tilespmem:v41+s12+$0x0] =	vst.idx.msk $0xffff, v4;
	v59 =	vor.u32 v6, v27;
	v27 =	vnsel vm12, $0x0, v40;
	vm10 =	vgt.s32 v38, $0x0;
	v61 =	vld.idx.msk [tilespmem:v53+s4+$0x0], $0xffff  }
0x136: {  	[tilespmem:s24+$0xFFFFFFC0] =	vst v33;
	v27 =	vmin.u32 v27, $0x11;
	v23 =	vnsel vm10, $0x0, v38;
	vm11 =	vgt.s32 v57, $0x0  }
0x137: {  	[tilespmem:v28+s12+$0x0] =	vst.idx.msk $0xffff, v4;
	vm13 =	vgt.s32 v42, $0x0;
	vm14 =	vgt.s32 v60, $0x0;
	vm9 =	vgt.s32 v52, $0x0  }
0x138: {  	[tilespmem:s24+$0xFFFFFFD0] =	vst v31;
	v62 =	vnsel vm13, $0x0, v42;
	v28 =	vnsel vm14, $0x0, v60;
	v24 =	vnsel vm9, $0x0, v52  }
0x139: {  	[tilespmem:v44+s12+$0x0] =	vst.idx.msk $0xffff, v4;
	v37 =	vmin.u32 v62, $0x11;
	v33 =	vmin.u32 v28, $0x11;
	v25 =	vmin.u32 v24, $0x11  }
0x13a: {  	[tilespmem:s25+$0x30] =	vst v36;
	v24 =	vmin.u32 v23, $0x11;
	v23 =	vnsel vm11, $0x0, v57;
	vm15 =	vgt.s32 v61, $0x0  }
0x13b: {  	[tilespmem:v59+s12+$0x0] =	vst.idx.msk $0xffff, v4;
	v23 =	vmin.u32 v23, $0x11;
	v31 =	vshrl.u32 v25, $0x3;
	v63 =	vnsel vm15, $0x0, v61  }
0x13c: {  	s29 =	smul.u32 $0x280, s29;
	s30 =	simm.s32 $0x8;
	s31 =	simm.s32 $0xF6C0;
	[tilespmem:s24+$0xFFFFFFE0] =	vst v29;
	v32 =	vshrl.u32 v24, $0x3;
	v28 =	vshrl.u32 v23, $0x3;
	v36 =	vmin.u32 v63, $0x11  }
.LBB2_6:
0x13d: {  	v38 =	vld [tilespmem:s31+$0x30];
	v29 =	vshrl.u32 v27, $0x3;
	v39 =	vshrl.u32 v37, $0x3;
	v40 =	vshrl.u32 v33, $0x3;
	[tilespmem:v26+s12+$0x0] =	vst.idx.msk $0xffff, v4  }
0x13e: {  	s30 =	sadd.s32 $0x8, s30;
	v31 =	vmul.u32 $0x1400, v31;
	v26 =	vmul.u32 $0x1400, v32;
	v42 =	vshrl.u32 v36, $0x3;
	v41 =	vld [tilespmem:s31+$0xFFFFFFC0];
	[tilespmem:s24+$0xFFFFFFF0] =	vst v15;
	v15 =	vmovc v27  }
0x13f: {  	v32 =	vmul.u32 $0x1400, v28;
	s26 =	sadd.s32 $0x80, s26;
	p1 =	slt.u32 s30, $0x20;
	v28 =	vmul.u32 $0x1400, v29;
	v29 =	vmul.u32 $0x1400, v39;
	v43 =	vld [tilespmem:s31+$0xFFFFFFD0];
	[tilespmem:v30+s12+$0x0] =	vst.idx.msk $0xffff, v4  }
0x140: {  	s1 =	sadd.s32 $0xFFFFFFA0, s26;
	s0 =	sadd.s32 $0xFFFFFFB0, s26;
	s2 =	sadd.s32 $0xFFFFFFC0, s26;
	v44 =	vmov s26;
	v27 =	vmul.u32 $0x1400, v42;
	v30 =	vmul.u32 $0x1400, v40;
	v39 =	vld [tilespmem:s31+$0xFFFFFFE0];
	[tilespmem:s24+$0x0] =	vst v12;
	v12 =	vmovc v37  }
0x141: {  	s10 =	sadd.s32 $0xFFFFFFF0, s26;
	v40 =	vmov s0;
	s0 =	sadd.s32 $0xFFFFFFD0, s26;
	v44 =	vshrl.u32 v44, $0x7;
	v37 =	vmov s1;
	s1 =	sadd.s32 $0xFFFFFFE0, s26;
	v42 =	vld [tilespmem:s31+$0xFFFFFFF0];
	[tilespmem:v35+s12+$0x0] =	vst.idx.msk $0xffff, v4  }
0x142: {  	s6 =	sadd.s32 $0xFFFFFF90, s26;
	v44 =	vshll.u32 v44, v3;
	v35 =	vmov s2;
	v45 =	vld [tilespmem:s31+$0x0];
	v46 =	vshrl.u32 v38, $0x3;
	[tilespmem:s24+$0x10] =	vst v13;
	v13 =	vmovc v33  }
0x143: {  	v47 =	vmov s6;
	v33 =	vbroadcast v44, $0x0;
	v48 =	vld [tilespmem:s31+$0x10];
	v46 =	vmul.u32 $0x1400, v46;
	[tilespmem:v34+s12+$0x0] =	vst.idx.msk $0xffff, v4  }
0x144: {  	v44 =	vmov s1;
	v38 =	vshll.u32 v38, $0x7;
	v34 =	vmov s0;
	v49 =	vld [tilespmem:s31+$0x20];
	[tilespmem:s24+$0x20] =	vst v14;
	v14 =	vmovc v36;
	s24 =	smov.u32 s25;
	s25 =	smov.u32 s31  }
0x145: {  	v38 =	vand.u32 $0x380, v38;
	v36 =	vmov s10;
	v46 =	vadd.s32 v33, v46  }
0x146: {  	v47 =	vshrl.u32 v47, $0x7;
	v37 =	vshrl.u32 v37, $0x7;
	v38 =	vor.u32 v38, v46  }
0x147: {  	v40 =	vshrl.u32 v40, $0x7;
	v35 =	vshrl.u32 v35, $0x7;
	v38 =	vor.u32 v11, v38  }
0x148: {  	v44 =	vshrl.u32 v44, $0x7;
	v34 =	vshrl.u32 v34, $0x7;
	v36 =	vshrl.u32 v36, $0x7  }
0x149: {  	v50 =	vshrl.u32 v43, $0x3;
	v51 =	vshrl.u32 v39, $0x3;
	v46 =	vshrl.u32 v41, $0x3  }
0x14a: {  	v52 =	vshrl.u32 v42, $0x3;
	v53 =	vshrl.u32 v45, $0x3;
	v54 =	vshrl.u32 v48, $0x3  }
0x14b: {  	v47 =	vshll.u32 v47, v3;
	v37 =	vshll.u32 v37, v3;
	v55 =	vshrl.u32 v49, $0x3  }
0x14c: {  	s28 =	sadd.s32 $0x80, s28;
	v40 =	vshll.u32 v40, v3;
	v35 =	vshll.u32 v35, v3;
	v46 =	vmul.u32 $0x1400, v46;
	[tilespmem:v38+s12+$0x0] =	vst.idx.msk $0xffff, v1  }
0x14d: {  	v34 =	vshll.u32 v34, v3;
	v36 =	vshll.u32 v36, v3;
	v38 =	vshll.u32 v44, v3;
	v44 =	vld [tilespmem:s28+$0x30]  }
0x14e: {  	v50 =	vmul.u32 $0x1400, v50;
	v51 =	vmul.u32 $0x1400, v51;
	v52 =	vmul.u32 $0x1400, v52  }
0x14f: {  	v53 =	vmul.u32 $0x1400, v53;
	v54 =	vmul.u32 $0x1400, v54;
	v55 =	vmul.u32 $0x1400, v55  }
0x150: {  	v47 =	vbroadcast v47, $0x0;
	v37 =	vbroadcast v37, $0x0;
	v41 =	vshll.u32 v41, $0x7  }
0x151: {  	v40 =	vbroadcast v40, $0x0;
	v43 =	vshll.u32 v43, $0x7;
	v35 =	vbroadcast v35, $0x0  }
0x152: {  	v34 =	vbroadcast v34, $0x0;
	v38 =	vbroadcast v38, $0x0;
	vm0 =	vgt.s32 v44, $0x0  }
0x153: {  	v39 =	vshll.u32 v39, $0x7;
	v36 =	vbroadcast v36, $0x0;
	v44 =	vnsel vm0, $0x0, v44  }
0x154: {  	v42 =	vshll.u32 v42, $0x7;
	v45 =	vshll.u32 v45, $0x7;
	v44 =	vmin.u32 v44, $0x76  }
0x155: {  	v48 =	vshll.u32 v48, $0x7;
	v46 =	vadd.s32 v47, v46;
	v49 =	vshll.u32 v49, $0x7  }
0x156: {  	v50 =	vadd.s32 v37, v50;
	v51 =	vadd.s32 v40, v51;
	v52 =	vadd.s32 v35, v52  }
0x157: {  	v53 =	vadd.s32 v34, v53;
	v55 =	vadd.s32 v36, v55;
	v54 =	vadd.s32 v38, v54  }
0x158: {  	v43 =	vand.u32 $0x380, v43;
	v39 =	vand.u32 $0x380, v39;
	v41 =	vand.u32 $0x380, v41  }
0x159: {  	v42 =	vand.u32 $0x380, v42;
	v45 =	vand.u32 $0x380, v45;
	v48 =	vand.u32 $0x380, v48;
	v44 =	vld.idx.msk [tilespmem:v44+s4+$0x0], $0xffff  }
0x15a: {  	v43 =	vor.u32 v43, v50;
	v41 =	vor.u32 v41, v46;
	v46 =	vand.u32 $0x380, v49  }
0x15b: {  	v39 =	vor.u32 v39, v51;
	v42 =	vor.u32 v42, v52;
	v45 =	vor.u32 v45, v53  }
0x15c: {  	v41 =	vor.u32 v0, v41;
	v46 =	vor.u32 v46, v55;
	v48 =	vor.u32 v48, v54  }
0x15d: {  	v43 =	vor.u32 v5, v43;
	v39 =	vor.u32 v6, v39;
	v42 =	vor.u32 v7, v42  }
0x15e: {  	v45 =	vor.u32 v8, v45;
	v46 =	vor.u32 v10, v46;
	v48 =	vor.u32 v9, v48  }
0x15f: {  	v50 =	vshll.u32 v24, $0x7;
	v49 =	vshll.u32 v25, $0x7;
	vm0 =	vgt.s32 v44, $0x0  }
0x160: {  	v51 =	vshll.u32 v23, $0x7;
	v52 =	vshll.u32 v15, $0x7;
	v44 =	vnsel vm0, $0x0, v44  }
0x161: {  	v53 =	vshll.u32 v13, $0x7;
	[tilespmem:v41+s12+$0x0] =	vst.idx.msk $0xffff, v1;
	v41 =	vmin.u32 v44, $0x11;
	v44 =	vshll.u32 v12, $0x7  }
0x162: {  	v31 =	vadd.s32 v16, v31;
	v16 =	vmovc v47;
	v55 =	vshll.u32 v14, $0x7;
	v54 =	vld [tilespmem:s28+$0xFFFFFFC0];
	[tilespmem:v43+s12+$0x0] =	vst.idx.msk $0xffff, v1;
	v43 =	vshrl.u32 v41, $0x3  }
0x163: {  	v26 =	vadd.s32 v22, v26;
	v32 =	vadd.s32 v21, v32;
	v47 =	vld [tilespmem:s28+$0xFFFFFFD0];
	[tilespmem:v39+s12+$0x0] =	vst.idx.msk $0xffff, v1;
	v39 =	vmul.u32 $0x1400, v43  }
0x164: {  	v28 =	vadd.s32 v20, v28;
	v29 =	vadd.s32 v19, v29;
	v21 =	vshll.u32 v41, $0x7;
	v43 =	vld [tilespmem:s28+$0xFFFFFFE0];
	[tilespmem:v42+s12+$0x0] =	vst.idx.msk $0xffff, v1  }
0x165: {  	v30 =	vadd.s32 v18, v30;
	v20 =	vand.u32 $0x380, v21;
	v42 =	vld [tilespmem:s28+$0xFFFFFFF0];
	[tilespmem:v45+s12+$0x0] =	vst.idx.msk $0xffff, v1;
	v19 =	vadd.s32 v33, v39  }
0x166: {  	v27 =	vadd.s32 v17, v27;
	v39 =	vand.u32 $0x380, v49;
	v33 =	vld [tilespmem:s28+$0x0];
	[tilespmem:v48+s12+$0x0] =	vst.idx.msk $0xffff, v1;
	v18 =	vor.u32 v20, v19  }
0x167: {  	v22 =	vmovc v37;
	v48 =	vand.u32 $0x380, v50;
	vm0 =	vgt.s32 v54, $0x0;
	v45 =	vld [tilespmem:s28+$0x10];
	[tilespmem:v46+s12+$0x0] =	vst.idx.msk $0xffff, v1;
	v46 =	vor.u32 v11, v18  }
0x168: {  	v49 =	vand.u32 $0x380, v51;
	v21 =	vmovc v40;
	v20 =	vmovc v35;
	v50 =	vnsel vm0, $0x0, v54;
	vm0 =	vgt.s32 v47, $0x0;
	v37 =	vld [tilespmem:s28+$0x20]  }
0x169: {  	v19 =	vmovc v34;
	v35 =	vmin.u32 v50, $0x76;
	v40 =	vnsel vm0, $0x0, v47;
	vm0 =	vgt.s32 v43, $0x0;
	v18 =	vmovc v38  }
0x16a: {  	v17 =	vmovc v36;
	v34 =	vmin.u32 v40, $0x76;
	v38 =	vnsel vm0, $0x0, v43;
	vm0 =	vgt.s32 v42, $0x0  }
0x16b: {  	v36 =	vmin.u32 v38, $0x76;
	v38 =	vnsel vm0, $0x0, v42;
	vm0 =	vgt.s32 v33, $0x0  }
0x16c: {  	v38 =	vmin.u32 v38, $0x76;
	v33 =	vnsel vm0, $0x0, v33;
	vm0 =	vgt.s32 v45, $0x0;
	[tilespmem:v46+s12+$0x0] =	vst.idx.msk $0xffff, v4  }
0x16d: {  	v33 =	vmin.u32 v33, $0x76;
	v40 =	vnsel vm0, $0x0, v45;
	vm0 =	vgt.s32 v37, $0x0;
	[tilespmem:s31+$0x30] =	vst v41  }
0x16e: {  	v41 =	vld.idx.msk [tilespmem:v35+s4+$0x0], $0xffff;
	v35 =	vmin.u32 v40, $0x76;
	v37 =	vnsel vm0, $0x0, v37;
	v40 =	vand.u32 $0x380, v52  }
0x16f: {  	v43 =	vand.u32 $0x380, v53;
	v42 =	vld.idx.msk [tilespmem:v34+s4+$0x0], $0xffff;
	v34 =	vmin.u32 v37, $0x76;
	v37 =	vand.u32 $0x380, v44  }
0x170: {  	v31 =	vor.u32 v39, v31;
	v39 =	vand.u32 $0x380, v55;
	v26 =	vor.u32 v48, v26;
	v36 =	vld.idx.msk [tilespmem:v36+s4+$0x0], $0xffff  }
0x171: {  	v32 =	vor.u32 v49, v32;
	v28 =	vor.u32 v40, v28;
	v29 =	vor.u32 v37, v29;
	v38 =	vld.idx.msk [tilespmem:v38+s4+$0x0], $0xffff  }
0x172: {  	v31 =	vor.u32 v0, v31;
	v27 =	vor.u32 v39, v27;
	v37 =	vor.u32 v43, v30;
	v33 =	vld.idx.msk [tilespmem:v33+s4+$0x0], $0xffff  }
0x173: {  	v32 =	vor.u32 v6, v32;
	v40 =	vor.u32 v5, v26;
	v26 =	vor.u32 v7, v28;
	v39 =	vld.idx.msk [tilespmem:v35+s4+$0x0], $0xffff  }
0x174: {  	v30 =	vor.u32 v8, v29;
	vm0 =	vgt.s32 v41, $0x0;
	v35 =	vor.u32 v9, v37;
	v28 =	vld.idx.msk [tilespmem:v34+s4+$0x0], $0xffff  }
0x175: {  	v29 =	vnsel vm0, $0x0, v41;
	vm0 =	vgt.s32 v42, $0x0;
	v34 =	vor.u32 v10, v27  }
0x176: {  	v27 =	vmin.u32 v29, $0x11;
	v29 =	vnsel vm0, $0x0, v42;
	vm0 =	vgt.s32 v36, $0x0  }
0x177: {  	v29 =	vmin.u32 v29, $0x11;
	v36 =	vnsel vm0, $0x0, v36;
	vm0 =	vgt.s32 v38, $0x0;
	[tilespmem:v31+s12+$0x0] =	vst.idx.msk $0xffff, v4  }
.Ltmp6:
0x178: {  	v41 =	vmin.u32 v36, $0x11;
	v31 =	vnsel vm0, $0x0, v38;
	vm0 =	vgt.s32 v33, $0x0;
	[tilespmem:s24+$0xFFFFFFC0] =	vst v25;
	v25 =	vmovc v27;
	(pc) =	sbr.rel @p1 .LBB2_6-.Ltmp6, $4  }
0x179: {  	v27 =	vmin.u32 v31, $0x11;
	v31 =	vnsel vm0, $0x0, v33;
	vm0 =	vgt.s32 v39, $0x0;
	[tilespmem:v40+s12+$0x0] =	vst.idx.msk $0xffff, v4  }
0x17a: {  	v37 =	vmin.u32 v31, $0x11;
	v33 =	vnsel vm0, $0x0, v39;
	vm0 =	vgt.s32 v28, $0x0;
	[tilespmem:s24+$0xFFFFFFD0] =	vst v24;
	v24 =	vmovc v29  }
0x17b: {  	v31 =	vshrl.u32 v25, $0x3;
	v33 =	vmin.u32 v33, $0x11;
	v29 =	vnsel vm0, $0x0, v28;
	[tilespmem:v32+s12+$0x0] =	vst.idx.msk $0xffff, v4  }
0x17c: {  	s31 =	sadd.s32 $0x80, s31;
	v28 =	vshrl.u32 v41, $0x3;
	v32 =	vshrl.u32 v24, $0x3;
	v36 =	vmin.u32 v29, $0x11;
	[tilespmem:s24+$0xFFFFFFE0] =	vst v23;
	v23 =	vmovc v41  }
0x17d: {  	_ = 	snop  }
0x17e: {  	v29 =	vshrl.u32 v27, $0x3  }
0x17f: {  	v38 =	vshrl.u32 v37, $0x3;
	v31 =	vmul.u32 $0x1400, v31;
	v39 =	vshrl.u32 v33, $0x3  }
0x180: {  	v63 =	vmul.u32 $0x1400, v32;
	v40 =	vshll.u32 v25, $0x7;
	v41 =	vshrl.u32 v36, $0x3  }
0x181: {  	[tilespmem:v26+s12+$0x0] =	vst.idx.msk $0xffff, v4;
	v28 =	vmul.u32 $0x1400, v28;
	v43 =	vshll.u32 v24, $0x7;
	v47 =	vshll.u32 v23, $0x7  }
0x182: {  	[tilespmem:v30+s12+$0x0] =	vst.idx.msk $0xffff, v4;
	v42 =	vand.u32 $0x380, v40;
	v45 =	vand.u32 $0x380, v43;
	v16 =	vadd.s32 v16, v31  }
0x183: {  	[tilespmem:v35+s12+$0x0] =	vst.idx.msk $0xffff, v4;
	v49 =	vand.u32 $0x380, v47;
	v44 =	vadd.s32 v22, v63;
	v16 =	vor.u32 v42, v16  }
0x184: {  	[tilespmem:s24+$0x0] =	vst v12;
	v48 =	vadd.s32 v21, v28;
	v12 =	vor.u32 v45, v44;
	v16 =	vor.u32 v0, v16  }
0x185: {  	v51 =	vshll.u32 v27, $0x7;
	[tilespmem:s24+$0x10] =	vst v13;
	v13 =	vor.u32 v49, v48;
	v12 =	vor.u32 v5, v12  }
0x186: {  	[tilespmem:v34+s12+$0x0] =	vst.idx.msk $0xffff, v4;
	v55 =	vshll.u32 v37, $0x7;
	v46 =	vmul.u32 $0x1400, v29;
	v13 =	vor.u32 v6, v13  }
0x187: {  	v58 =	vshll.u32 v33, $0x7;
	v61 =	vshll.u32 v36, $0x7;
	[tilespmem:s24+$0xFFFFFFF0] =	vst v15;
	v50 =	vmul.u32 $0x1400, v38  }
0x188: {  	[tilespmem:s24+$0x20] =	vst v14;
	v53 =	vand.u32 $0x380, v51;
	v54 =	vmul.u32 $0x1400, v39;
	v52 =	vadd.s32 v20, v46  }
0x189: {  	v57 =	vand.u32 $0x380, v55;
	v15 =	vmul.u32 $0x1400, v41;
	v14 =	vor.u32 v53, v52;
	[tilespmem:v16+s12+$0x0] =	vst.idx.msk $0xffff, v4  }
0x18a: {  	v60 =	vand.u32 $0x380, v58;
	v56 =	vadd.s32 v19, v50;
	v14 =	vor.u32 v7, v14;
	[tilespmem:v12+s12+$0x0] =	vst.idx.msk $0xffff, v4  }
0x18b: {  	v63 =	vand.u32 $0x380, v61;
	v59 =	vadd.s32 v18, v54;
	v16 =	vor.u32 v57, v56;
	[tilespmem:v13+s12+$0x0] =	vst.idx.msk $0xffff, v4  }
0x18c: {  	v62 =	vadd.s32 v17, v15;
	v12 =	vor.u32 v60, v59;
	[tilespmem:s25+$0xFFFFFFC0] =	vst v25;
	v16 =	vor.u32 v8, v16  }
0x18d: {  	v13 =	vor.u32 v63, v62;
	[tilespmem:s25+$0xFFFFFFD0] =	vst v24;
	v12 =	vor.u32 v9, v12  }
0x18e: {  	[tilespmem:s25+$0xFFFFFFE0] =	vst v23;
	v13 =	vor.u32 v10, v13  }
0x18f: {  	[tilespmem:v14+s12+$0x0] =	vst.idx.msk $0xffff, v4  }
0x190: {  	[tilespmem:s25+$0xFFFFFFF0] =	vst v27  }
0x191: {  	[tilespmem:v16+s12+$0x0] =	vst.idx.msk $0xffff, v4  }
0x192: {  	[tilespmem:v12+s12+$0x0] =	vst.idx.msk $0xffff, v4  }
0x193: {  	[tilespmem:v13+s12+$0x0] =	vst.idx.msk $0xffff, v4  }
0x194: {  	[tilespmem:s25+$0x0] =	vst v37  }
0x195: {  	[tilespmem:s25+$0x10] =	vst v33  }
0x196: {  	s0 =	sadd.s32 s3, s29;
	[tilespmem:s25+$0x20] =	vst v36  }
0x197: {  	[hbm4b:s0+s15] =	stream.strided.scatter [tilespmem:s12], [sflag:$0x2], $0x3C00, s16, s15, $0x38;
	[tilespmem:$0x17280] =	vst v63  }
.LBB2_8:
0x198: {  	s0 =	sadd.s32 s23, s5  }
0x199: {  	s28 =	sadd.s32 $0x1, s0  }
0x19a: {  	p1 =	sgt.u32 s28, $0xC34  }
.Ltmp7:
0x19b: {  	_ = 	snop;
	(pc) =	sbr.rel @p1 .LBB2_12-.Ltmp7, $1  }
0x19c: {  	_ =	sdelay $0x3  }
0x19d: {  	s0 =	simm.s32 @!p0 $0x3  }
0x19e: {  	_ =	swait.ge @!p0 [sflag:s0], $0x3C00  }
0x19f: {  	[sflag:s0] =	ssyncset.done @!p0 $0x0  }
0x1a0: {  	s23 =	simm.s32 $0xF840;
	[sflag:s0] =	ssyncadd.s32 @!p0 $0xFFFFC400  }
0x1a1: {  	v13 =	vld [tilespmem:s23+$0x30]  }
0x1a2: {  	s10 =	simm.s32 $0x70;
	s1 =	simm.s32 $0x10;
	v16 =	vld [tilespmem:s23+$0xFFFFFFD0]  }
0x1a3: {  	s2 =	simm.s32 $0x20;
	s6 =	simm.s32 $0x30;
	s24 =	simm.s32 $0x0;
	v12 =	vmov s10;
	v15 =	vmov s1;
	v19 =	vld [tilespmem:s23+$0xFFFFFFE0]  }
0x1a4: {  	s25 =	simm.s32 $0x40;
	s26 =	simm.s32 $0x50;
	s31 =	simm.s32 $0x60;
	v17 =	vmov s2;
	v18 =	vmov s6;
	v21 =	vmov s24;
	v22 =	vld [tilespmem:s23+$0xFFFFFFF0]  }
0x1a5: {  	v23 =	vmov s25;
	v24 =	vmov s26;
	v25 =	vmov s31;
	v29 =	vld [tilespmem:s23+$0x0]  }
0x1a6: {  	s31 =	simm.s32 $0xE0;
	v12 =	vshrl.u32 v12, $0x7;
	v21 =	vshrl.u32 v21, $0x7;
	v15 =	vshrl.u32 v15, $0x7;
	v31 =	vld [tilespmem:s23+$0x10]  }
0x1a7: {  	v17 =	vshrl.u32 v17, $0x7;
	v18 =	vshrl.u32 v18, $0x7;
	v47 =	vmov s31;
	v32 =	vld [tilespmem:s23+$0x20]  }
0x1a8: {  	v12 =	vshll.u32 v12, v3;
	v21 =	vshll.u32 v21, v3;
	v15 =	vshll.u32 v15, v3  }
0x1a9: {  	v17 =	vshll.u32 v17, v3;
	v18 =	vshll.u32 v18, v3;
	v12 =	vbroadcast v12, $0x0  }
0x1aa: {  	v20 =	vshrl.u32 v13, $0x3;
	v13 =	vshll.u32 v13, $0x7;
	v26 =	vshrl.u32 v16, $0x3  }
0x1ab: {  	v27 =	vshrl.u32 v19, $0x3;
	v28 =	vshrl.u32 v22, $0x3;
	v30 =	vshrl.u32 v29, $0x3  }
0x1ac: {  	v14 =	vld [tilespmem:s23+$0xFFFFFFC0];
	v33 =	vshrl.u32 v31, $0x3;
	v34 =	vshrl.u32 v32, $0x3;
	v20 =	vmul.u32 $0x1400, v20  }
0x1ad: {  	v13 =	vand.u32 $0x380, v13;
	v37 =	vmul.u32 $0x1400, v26;
	v38 =	vmul.u32 $0x1400, v27  }
0x1ae: {  	v39 =	vmul.u32 $0x1400, v28;
	v40 =	vmul.u32 $0x1400, v30;
	v33 =	vmul.u32 $0x1400, v33  }
0x1af: {  	v28 =	vbroadcast v15, $0x0;
	v27 =	vbroadcast v17, $0x0;
	v20 =	vadd.s32 v12, v20  }
0x1b0: {  	v13 =	vor.u32 v13, v20;
	v20 =	vshrl.u32 v23, $0x7;
	v23 =	vshrl.u32 v24, $0x7  }
0x1b1: {  	v24 =	vshrl.u32 v25, $0x7;
	v25 =	vshrl.u32 v14, $0x3;
	v13 =	vor.u32 v11, v13  }
0x1b2: {  	v15 =	vshll.u32 v16, $0x7;
	v35 =	vmul.u32 $0x1400, v25;
	v25 =	vbroadcast v18, $0x0  }
0x1b3: {  	v30 =	vbroadcast v21, $0x0;
	v17 =	vshll.u32 v22, $0x7;
	v15 =	vand.u32 $0x380, v15  }
0x1b4: {  	v17 =	vand.u32 $0x380, v17;
	v21 =	vadd.s32 v27, v38;
	v22 =	vadd.s32 v25, v39  }
0x1b5: {  	v14 =	vshll.u32 v14, $0x7;
	v18 =	vshll.u32 v29, $0x7;
	v17 =	vor.u32 v17, v22  }
0x1b6: {  	v14 =	vand.u32 $0x380, v14;
	v18 =	vand.u32 $0x380, v18;
	v17 =	vor.u32 v7, v17;
	[tilespmem:v13+s13+$0x0] =	vst.idx.msk $0xffff, v1  }
0x1b7: {  	v13 =	vshll.u32 v20, v3;
	v20 =	vshll.u32 v23, v3;
	v23 =	vshll.u32 v24, v3  }
0x1b8: {  	v26 =	vbroadcast v13, $0x0;
	v13 =	vshll.u32 v19, $0x7;
	v19 =	vadd.s32 v30, v35  }
0x1b9: {  	v36 =	vld [tilespmem:s21+$0x0];
	v24 =	vbroadcast v20, $0x0;
	v20 =	vadd.s32 v28, v37;
	v14 =	vor.u32 v14, v19  }
0x1ba: {  	s24 =	simm.s32 $0xF8C0;
	v13 =	vand.u32 $0x380, v13;
	v15 =	vor.u32 v15, v20;
	v14 =	vor.u32 v0, v14  }
0x1bb: {  	v42 =	vld [tilespmem:s24+$0xFFFFFFE0];
	v29 =	vadd.s32 v26, v40;
	v13 =	vor.u32 v13, v21;
	v15 =	vor.u32 v5, v15  }
0x1bc: {  	v44 =	vld [tilespmem:s24+$0xFFFFFFF0];
	v34 =	vmul.u32 $0x1400, v34;
	v13 =	vor.u32 v6, v13;
	v18 =	vor.u32 v18, v29  }
0x1bd: {  	v46 =	vld [tilespmem:s24+$0x0];
	v23 =	vbroadcast v23, $0x0;
	v19 =	vshll.u32 v31, $0x7;
	v18 =	vor.u32 v8, v18  }
0x1be: {  	v51 =	vld [tilespmem:s24+$0x20];
	v20 =	vadd.s32 v24, v33;
	v19 =	vand.u32 $0x380, v19;
	[tilespmem:v17+s13+$0x0] =	vst.idx.msk $0xffff, v1;
	vm0 =	vgt.s32 v36, $0x0  }
0x1bf: {  	v21 =	vshll.u32 v32, $0x7;
	v19 =	vor.u32 v19, v20;
	v17 =	vld [tilespmem:s21+$0xFFFFFFC0];
	v16 =	vnsel vm0, $0x0, v36;
	[tilespmem:v14+s13+$0x0] =	vst.idx.msk $0xffff, v1  }
0x1c0: {  	v20 =	vand.u32 $0x380, v21;
	v16 =	vmin.u32 v16, $0x76;
	v14 =	vadd.s32 v23, v34;
	[tilespmem:v15+s13+$0x0] =	vst.idx.msk $0xffff, v1;
	v21 =	vld [tilespmem:s21+$0xFFFFFF90]  }
0x1c1: {  	v47 =	vshrl.u32 v47, $0x7;
	v19 =	vor.u32 v9, v19;
	v14 =	vor.u32 v20, v14;
	v15 =	vld [tilespmem:s21+$0xFFFFFFA0];
	[tilespmem:v13+s13+$0x0] =	vst.idx.msk $0xffff, v1  }
0x1c2: {  	v47 =	vshll.u32 v47, v3;
	v53 =	vshrl.u32 v42, $0x3;
	v13 =	vor.u32 v10, v14;
	v14 =	vld [tilespmem:s21+$0xFFFFFFB0];
	[tilespmem:v18+s13+$0x0] =	vst.idx.msk $0xffff, v1  }
0x1c3: {  	v54 =	vshrl.u32 v44, $0x3;
	v55 =	vshrl.u32 v46, $0x3;
	v60 =	vshrl.u32 v51, $0x3;
	v18 =	vld [tilespmem:s21+$0xFFFFFFD0]  }
0x1c4: {  	v42 =	vshll.u32 v42, $0x7;
	v44 =	vshll.u32 v44, $0x7;
	vm12 =	vgt.s32 v17, $0x0  }
0x1c5: {  	v46 =	vshll.u32 v46, $0x7;
	v17 =	vnsel vm12, $0x0, v17;
	v16 =	vld.idx.msk [tilespmem:v16+s4+$0x0], $0xffff;
	vm9 =	vgt.s32 v21, $0x0  }
0x1c6: {  	[tilespmem:v19+s13+$0x0] =	vst.idx.msk $0xffff, v1;
	v17 =	vmin.u32 v17, $0x76;
	vm10 =	vgt.s32 v15, $0x0;
	v20 =	vnsel vm9, $0x0, v21  }
0x1c7: {  	v19 =	vld [tilespmem:s21+$0xFFFFFFE0];
	[tilespmem:v13+s13+$0x0] =	vst.idx.msk $0xffff, v1;
	v15 =	vnsel vm10, $0x0, v15;
	vm11 =	vgt.s32 v14, $0x0;
	v13 =	vmin.u32 v20, $0x76  }
0x1c8: {  	v15 =	vmin.u32 v15, $0x76;
	v14 =	vnsel vm11, $0x0, v14;
	vm13 =	vgt.s32 v18, $0x0  }
0x1c9: {  	v53 =	vmul.u32 $0x1400, v53;
	v20 =	vld [tilespmem:s21+$0xFFFFFFF0];
	v14 =	vmin.u32 v14, $0x76;
	v18 =	vnsel vm13, $0x0, v18  }
0x1ca: {  	v63 =	vld [tilespmem:s24+$0xFFFFFFC0];
	v54 =	vmul.u32 $0x1400, v54;
	vm14 =	vgt.s32 v16, $0x0;
	v18 =	vmin.u32 v18, $0x76  }
0x1cb: {  	v55 =	vmul.u32 $0x1400, v55;
	v42 =	vand.u32 $0x380, v42;
	v17 =	vld.idx.msk [tilespmem:v17+s4+$0x0], $0xffff;
	v16 =	vnsel vm14, $0x0, v16  }
0x1cc: {  	v44 =	vand.u32 $0x380, v44;
	vm15 =	vgt.s32 v19, $0x0;
	v32 =	vmin.u32 v16, $0x11;
	v13 =	vld.idx.msk [tilespmem:v13+s4+$0x0], $0xffff  }
0x1cd: {  	v46 =	vand.u32 $0x380, v46;
	v16 =	vnsel vm15, $0x0, v19;
	v19 =	vshrl.u32 v32, $0x3;
	v15 =	vld.idx.msk [tilespmem:v15+s4+$0x0], $0xffff  }
0x1ce: {  	vm4 =	vgt.s32 v20, $0x0;
	v16 =	vmin.u32 v16, $0x76;
	v19 =	vmul.u32 $0x1400, v19;
	v14 =	vld.idx.msk [tilespmem:v14+s4+$0x0], $0xffff  }
0x1cf: {  	v36 =	vshll.u32 v63, $0x7;
	v21 =	vshll.u32 v32, $0x7;
	v20 =	vnsel vm4, $0x0, v20;
	v18 =	vld.idx.msk [tilespmem:v18+s4+$0x0], $0xffff  }
0x1d0: {  	v20 =	vmin.u32 v20, $0x76;
	v12 =	vadd.s32 v12, v19;
	v19 =	vand.u32 $0x380, v21  }
0x1d1: {  	v36 =	vand.u32 $0x380, v36;
	vm8 =	vgt.s32 v17, $0x0;
	v12 =	vor.u32 v19, v12  }
0x1d2: {  	s25 =	simm.s32 $0xF0;
	vm5 =	vgt.s32 v13, $0x0;
	v34 =	vor.u32 v11, v12;
	vm6 =	vgt.s32 v15, $0x0  }
0x1d3: {  	v16 =	vld.idx.msk [tilespmem:v16+s4+$0x0], $0xffff;
	v12 =	vnsel vm5, $0x0, v13;
	vm7 =	vgt.s32 v14, $0x0;
	v13 =	vmov s25  }
0x1d4: {  	v19 =	vld [tilespmem:s24+$0x30];
	v33 =	vmin.u32 v12, $0x11;
	v12 =	vnsel vm6, $0x0, v15;
	vm9 =	vgt.s32 v18, $0x0  }
0x1d5: {  	v20 =	vld.idx.msk [tilespmem:v20+s4+$0x0], $0xffff;
	v13 =	vshrl.u32 v13, $0x7;
	v31 =	vmin.u32 v12, $0x11;
	v12 =	vnsel vm7, $0x0, v14  }
0x1d6: {  	v13 =	vshll.u32 v13, v3;
	v29 =	vmin.u32 v12, $0x11;
	v12 =	vnsel vm8, $0x0, v17  }
0x1d7: {  	v35 =	vbroadcast v13, $0x0;
	v17 =	vshrl.u32 v33, $0x3;
	v15 =	vmin.u32 v12, $0x11  }
0x1d8: {  	v12 =	vnsel vm9, $0x0, v18;
	vm10 =	vgt.s32 v16, $0x0;
	v37 =	vmul.u32 $0x1400, v17  }
0x1d9: {  	v12 =	vmin.u32 v12, $0x11;
	v14 =	vnsel vm10, $0x0, v16;
	v16 =	vshrl.u32 v19, $0x3  }
0x1da: {  	vm11 =	vgt.s32 v20, $0x0;
	v16 =	vmul.u32 $0x1400, v16;
	v13 =	vmin.u32 v14, $0x11  }
0x1db: {  	v14 =	vshll.u32 v19, $0x7;
	v19 =	vshrl.u32 v31, $0x3;
	v21 =	vshrl.u32 v12, $0x3  }
0x1dc: {  	v30 =	vadd.s32 v30, v37;
	v18 =	vnsel vm11, $0x0, v20;
	v14 =	vand.u32 $0x380, v14  }
0x1dd: {  	s10 =	simm.s32 $0xB0;
	v20 =	vshrl.u32 v29, $0x3;
	v22 =	vshrl.u32 v13, $0x3;
	v38 =	vmul.u32 $0x1400, v19  }
0x1de: {  	s6 =	simm.s32 $0xA0;
	v41 =	vmul.u32 $0x1400, v21;
	v21 =	vmov s10;
	v16 =	vadd.s32 v35, v16  }
0x1df: {  	s26 =	simm.s32 $0xC0;
	v39 =	vmul.u32 $0x1400, v20;
	v43 =	vmul.u32 $0x1400, v22;
	v20 =	vmov s6  }
0x1e0: {  	v22 =	vmov s26;
	v21 =	vshrl.u32 v21, $0x7;
	v16 =	vor.u32 v14, v16  }
0x1e1: {  	v14 =	vmin.u32 v18, $0x11;
	v18 =	vshrl.u32 v15, $0x3;
	v20 =	vshrl.u32 v20, $0x7  }
0x1e2: {  	v19 =	vld [tilespmem:s24+$0xFFFFFFD0];
	v22 =	vshrl.u32 v22, $0x7;
	v57 =	vshll.u32 v21, v3;
	v16 =	vor.u32 v11, v16  }
0x1e3: {  	s2 =	simm.s32 $0x90;
	v28 =	vadd.s32 v28, v38;
	v17 =	vshrl.u32 v14, $0x3;
	v40 =	vmul.u32 $0x1400, v18  }
0x1e4: {  	s6 =	simm.s32 $0x80;
	v18 =	vmov s2;
	v20 =	vshll.u32 v20, v3;
	v58 =	vshll.u32 v22, v3  }
0x1e5: {  	v49 =	vld [tilespmem:s24+$0x10];
	v45 =	vmul.u32 $0x1400, v17;
	v17 =	vmov s6;
	v18 =	vshrl.u32 v18, $0x7  }
0x1e6: {  	s10 =	simm.s32 $0xD0;
	v21 =	vbroadcast v20, $0x0;
	v20 =	vbroadcast v57, $0x0;
	v17 =	vshrl.u32 v17, $0x7  }
0x1e7: {  	v52 =	vshrl.u32 v19, $0x3;
	v18 =	vshll.u32 v18, v3;
	[tilespmem:v16+s13+$0x0] =	vst.idx.msk $0xffff, v1;
	v16 =	vmov s10  }
0x1e8: {  	s26 =	sadd.s32 $0x80, s21;
	v17 =	vshll.u32 v17, v3;
	v50 =	vshrl.u32 v16, $0x7;
	v16 =	vshrl.u32 v63, $0x3  }
0x1e9: {  	v52 =	vmul.u32 $0x1400, v52;
	v22 =	vbroadcast v18, $0x0;
	v48 =	vld [tilespmem:s26+$0x0];
	v56 =	vmul.u32 $0x1400, v16  }
0x1ea: {  	v16 =	vbroadcast v17, $0x0;
	v17 =	vshrl.u32 v49, $0x3;
	v50 =	vshll.u32 v50, v3  }
0x1eb: {  	v26 =	vadd.s32 v26, v41;
	v59 =	vmul.u32 $0x1400, v17;
	v18 =	vbroadcast v50, $0x0  }
0x1ec: {  	v50 =	vadd.s32 v22, v52;
	v52 =	vadd.s32 v20, v54;
	v56 =	vadd.s32 v16, v56  }
0x1ed: {  	v17 =	vbroadcast v47, $0x0;
	v44 =	vor.u32 v44, v52;
	v36 =	vor.u32 v36, v56  }
0x1ee: {  	v56 =	vmul.u32 $0x1400, v60;
	v60 =	vshll.u32 v19, $0x7;
	vm12 =	vgt.s32 v48, $0x0  }
0x1ef: {  	v44 =	vor.u32 v7, v44;
	v63 =	vand.u32 $0x380, v60;
	v48 =	vnsel vm12, $0x0, v48  }
0x1f0: {  	v19 =	vbroadcast v58, $0x0;
	v50 =	vor.u32 v63, v50;
	v47 =	vmin.u32 v48, $0x76  }
0x1f1: {  	v48 =	vshll.u32 v49, $0x7;
	v49 =	vshll.u32 v51, $0x7;
	v51 =	vadd.s32 v21, v53  }
0x1f2: {  	v53 =	vadd.s32 v19, v55;
	v50 =	vor.u32 v5, v50;
	v42 =	vor.u32 v42, v51  }
0x1f3: {  	v37 =	vshll.u32 v14, $0x7;
	v46 =	vor.u32 v46, v53;
	v42 =	vor.u32 v6, v42  }
0x1f4: {  	v61 =	vadd.s32 v18, v59;
	v48 =	vand.u32 $0x380, v48;
	v46 =	vor.u32 v8, v46;
	[tilespmem:v44+s13+$0x0] =	vst.idx.msk $0xffff, v1  }
0x1f5: {  	v27 =	vadd.s32 v27, v39;
	v25 =	vadd.s32 v25, v40;
	v48 =	vor.u32 v48, v61;
	v40 =	vld [tilespmem:s26+$0xFFFFFFC0]  }
0x1f6: {  	v24 =	vadd.s32 v24, v43;
	v23 =	vadd.s32 v23, v45;
	v48 =	vor.u32 v9, v48;
	v47 =	vld.idx.msk [tilespmem:v47+s4+$0x0], $0xffff  }
0x1f7: {  	v54 =	vshll.u32 v15, $0x7;
	v52 =	vshll.u32 v31, $0x7;
	v36 =	vor.u32 v0, v36;
	[tilespmem:v50+s13+$0x0] =	vst.idx.msk $0xffff, v1  }
0x1f8: {  	v62 =	vadd.s32 v17, v56;
	v55 =	vshll.u32 v13, $0x7;
	v49 =	vand.u32 $0x380, v49;
	v38 =	vld [tilespmem:s26+$0xFFFFFFA0];
	[tilespmem:v42+s13+$0x0] =	vst.idx.msk $0xffff, v1  }
0x1f9: {  	v51 =	vshll.u32 v33, $0x7;
	v53 =	vshll.u32 v29, $0x7;
	v49 =	vor.u32 v49, v62;
	[tilespmem:v46+s13+$0x0] =	vst.idx.msk $0xffff, v1;
	v39 =	vld [tilespmem:s26+$0xFFFFFFB0]  }
0x1fa: {  	v55 =	vand.u32 $0x380, v55;
	v57 =	vand.u32 $0x380, v51;
	v49 =	vor.u32 v10, v49;
	v63 =	vld [tilespmem:s26+$0xFFFFFFD0]  }
0x1fb: {  	v24 =	vor.u32 v55, v24;
	[tilespmem:v48+s13+$0x0] =	vst.idx.msk $0xffff, v1;
	vm5 =	vgt.s32 v40, $0x0;
	vm13 =	vgt.s32 v47, $0x0  }
0x1fc: {  	[tilespmem:v36+s13+$0x0] =	vst.idx.msk $0xffff, v1;
	v30 =	vor.u32 v57, v30;
	v58 =	vld [tilespmem:s26+$0xFFFFFFE0];
	v40 =	vnsel vm5, $0x0, v40;
	v47 =	vnsel vm13, $0x0, v47  }
0x1fd: {  	v56 =	vld [tilespmem:s26+$0xFFFFFF90];
	v40 =	vmin.u32 v40, $0x76;
	vm15 =	vgt.s32 v38, $0x0;
	v36 =	vmin.u32 v47, $0x11  }
0x1fe: {  	v38 =	vnsel vm15, $0x0, v38;
	v59 =	vshrl.u32 v36, $0x3;
	v61 =	vshll.u32 v36, $0x7  }
0x1ff: {  	[tilespmem:v49+s13+$0x0] =	vst.idx.msk $0xffff, v1;
	vm4 =	vgt.s32 v39, $0x0;
	v38 =	vmin.u32 v38, $0x76;
	vm6 =	vgt.s32 v63, $0x0  }
0x200: {  	v60 =	vmul.u32 $0x1400, v59;
	v62 =	vand.u32 $0x380, v61;
	v61 =	vld [tilespmem:s26+$0xFFFFFFF0];
	v39 =	vnsel vm4, $0x0, v39  }
0x201: {  	v42 =	vnsel vm6, $0x0, v63;
	vm7 =	vgt.s32 v58, $0x0;
	v39 =	vmin.u32 v39, $0x76  }
0x202: {  	vm14 =	vgt.s32 v56, $0x0;
	v42 =	vmin.u32 v42, $0x76;
	v43 =	vnsel vm7, $0x0, v58  }
0x203: {  	v35 =	vadd.s32 v35, v60;
	v60 =	vnsel vm14, $0x0, v56;
	v43 =	vmin.u32 v43, $0x76  }
0x204: {  	v41 =	vor.u32 v0, v30;
	v47 =	vshll.u32 v12, $0x7;
	v40 =	vld.idx.msk [tilespmem:v40+s4+$0x0], $0xffff;
	v45 =	vmin.u32 v60, $0x76  }
0x205: {  	v59 =	vand.u32 $0x380, v52;
	v63 =	vand.u32 $0x380, v54;
	v38 =	vld.idx.msk [tilespmem:v38+s4+$0x0], $0xffff;
	vm8 =	vgt.s32 v61, $0x0  }
0x206: {  	v54 =	vand.u32 $0x380, v47;
	v28 =	vor.u32 v59, v28;
	v46 =	vnsel vm8, $0x0, v61;
	v57 =	vld.idx.msk [tilespmem:v39+s4+$0x0], $0xffff  }
0x207: {  	[tilespmem:v34+s13+$0x0] =	vst.idx.msk $0xffff, v4;
	v35 =	vor.u32 v62, v35;
	v62 =	vand.u32 $0x380, v53;
	v42 =	vld.idx.msk [tilespmem:v42+s4+$0x0], $0xffff;
	v53 =	vmin.u32 v46, $0x76  }
0x208: {  	v25 =	vor.u32 v63, v25;
	v58 =	vor.u32 v54, v26;
	v56 =	vand.u32 $0x380, v37;
	v60 =	vld.idx.msk [tilespmem:v43+s4+$0x0], $0xffff  }
0x209: {  	v28 =	vor.u32 v5, v28;
	v26 =	vor.u32 v7, v25;
	v30 =	vor.u32 v8, v58;
	v52 =	vld.idx.msk [tilespmem:v45+s4+$0x0], $0xffff  }
0x20a: {  	v23 =	vor.u32 v56, v23;
	v44 =	vor.u32 v11, v35;
	v27 =	vor.u32 v62, v27  }
0x20b: {  	[tilespmem:s23+$0x30] =	vst v32;
	v35 =	vor.u32 v9, v24;
	v34 =	vor.u32 v10, v23;
	vm12 =	vgt.s32 v40, $0x0  }
0x20c: {  	[tilespmem:v41+s13+$0x0] =	vst.idx.msk $0xffff, v4;
	v59 =	vor.u32 v6, v27;
	v27 =	vnsel vm12, $0x0, v40;
	vm10 =	vgt.s32 v38, $0x0;
	v61 =	vld.idx.msk [tilespmem:v53+s4+$0x0], $0xffff  }
0x20d: {  	[tilespmem:s23+$0xFFFFFFC0] =	vst v33;
	v27 =	vmin.u32 v27, $0x11;
	v23 =	vnsel vm10, $0x0, v38;
	vm11 =	vgt.s32 v57, $0x0  }
0x20e: {  	[tilespmem:v28+s13+$0x0] =	vst.idx.msk $0xffff, v4;
	vm13 =	vgt.s32 v42, $0x0;
	vm14 =	vgt.s32 v60, $0x0;
	vm9 =	vgt.s32 v52, $0x0  }
0x20f: {  	[tilespmem:s23+$0xFFFFFFD0] =	vst v31;
	v62 =	vnsel vm13, $0x0, v42;
	v28 =	vnsel vm14, $0x0, v60;
	v24 =	vnsel vm9, $0x0, v52  }
0x210: {  	[tilespmem:v44+s13+$0x0] =	vst.idx.msk $0xffff, v4;
	v37 =	vmin.u32 v62, $0x11;
	v33 =	vmin.u32 v28, $0x11;
	v25 =	vmin.u32 v24, $0x11  }
0x211: {  	[tilespmem:s24+$0x30] =	vst v36;
	v24 =	vmin.u32 v23, $0x11;
	v23 =	vnsel vm11, $0x0, v57;
	vm15 =	vgt.s32 v61, $0x0  }
0x212: {  	[tilespmem:v59+s13+$0x0] =	vst.idx.msk $0xffff, v4;
	v23 =	vmin.u32 v23, $0x11;
	v31 =	vshrl.u32 v25, $0x3;
	v63 =	vnsel vm15, $0x0, v61  }
0x213: {  	s28 =	smul.u32 $0x280, s28;
	s29 =	simm.s32 $0x8;
	s30 =	simm.s32 $0xF940;
	[tilespmem:s23+$0xFFFFFFE0] =	vst v29;
	v32 =	vshrl.u32 v24, $0x3;
	v28 =	vshrl.u32 v23, $0x3;
	v36 =	vmin.u32 v63, $0x11  }
.LBB2_10:
0x214: {  	v38 =	vld [tilespmem:s30+$0x30];
	v29 =	vshrl.u32 v27, $0x3;
	v39 =	vshrl.u32 v37, $0x3;
	v40 =	vshrl.u32 v33, $0x3;
	[tilespmem:v26+s13+$0x0] =	vst.idx.msk $0xffff, v4  }
0x215: {  	s29 =	sadd.s32 $0x8, s29;
	v31 =	vmul.u32 $0x1400, v31;
	v26 =	vmul.u32 $0x1400, v32;
	v42 =	vshrl.u32 v36, $0x3;
	v41 =	vld [tilespmem:s30+$0xFFFFFFC0];
	[tilespmem:s23+$0xFFFFFFF0] =	vst v15;
	v15 =	vmovc v27  }
0x216: {  	v32 =	vmul.u32 $0x1400, v28;
	s25 =	sadd.s32 $0x80, s25;
	p0 =	slt.u32 s29, $0x20;
	v28 =	vmul.u32 $0x1400, v29;
	v29 =	vmul.u32 $0x1400, v39;
	v43 =	vld [tilespmem:s30+$0xFFFFFFD0];
	[tilespmem:v30+s13+$0x0] =	vst.idx.msk $0xffff, v4  }
0x217: {  	s0 =	sadd.s32 $0xFFFFFFA0, s25;
	s1 =	sadd.s32 $0xFFFFFFB0, s25;
	s2 =	sadd.s32 $0xFFFFFFC0, s25;
	v44 =	vmov s25;
	v27 =	vmul.u32 $0x1400, v42;
	v30 =	vmul.u32 $0x1400, v40;
	v39 =	vld [tilespmem:s30+$0xFFFFFFE0];
	[tilespmem:s23+$0x0] =	vst v12;
	v12 =	vmovc v37  }
0x218: {  	s6 =	sadd.s32 $0xFFFFFFF0, s25;
	v40 =	vmov s1;
	s1 =	sadd.s32 $0xFFFFFFE0, s25;
	v44 =	vshrl.u32 v44, $0x7;
	v37 =	vmov s0;
	s0 =	sadd.s32 $0xFFFFFFD0, s25;
	v42 =	vld [tilespmem:s30+$0xFFFFFFF0];
	[tilespmem:v35+s13+$0x0] =	vst.idx.msk $0xffff, v4  }
0x219: {  	s10 =	sadd.s32 $0xFFFFFF90, s25;
	v44 =	vshll.u32 v44, v3;
	v35 =	vmov s2;
	v45 =	vld [tilespmem:s30+$0x0];
	v46 =	vshrl.u32 v38, $0x3;
	[tilespmem:s23+$0x10] =	vst v13;
	v13 =	vmovc v33  }
0x21a: {  	v47 =	vmov s10;
	v33 =	vbroadcast v44, $0x0;
	v48 =	vld [tilespmem:s30+$0x10];
	v46 =	vmul.u32 $0x1400, v46;
	[tilespmem:v34+s13+$0x0] =	vst.idx.msk $0xffff, v4  }
0x21b: {  	v44 =	vmov s1;
	v38 =	vshll.u32 v38, $0x7;
	v34 =	vmov s0;
	v49 =	vld [tilespmem:s30+$0x20];
	[tilespmem:s23+$0x20] =	vst v14;
	v14 =	vmovc v36;
	s23 =	smov.u32 s24;
	s24 =	smov.u32 s30  }
0x21c: {  	v38 =	vand.u32 $0x380, v38;
	v36 =	vmov s6;
	v46 =	vadd.s32 v33, v46  }
0x21d: {  	v47 =	vshrl.u32 v47, $0x7;
	v37 =	vshrl.u32 v37, $0x7;
	v38 =	vor.u32 v38, v46  }
0x21e: {  	v40 =	vshrl.u32 v40, $0x7;
	v35 =	vshrl.u32 v35, $0x7;
	v38 =	vor.u32 v11, v38  }
0x21f: {  	v44 =	vshrl.u32 v44, $0x7;
	v34 =	vshrl.u32 v34, $0x7;
	v36 =	vshrl.u32 v36, $0x7  }
0x220: {  	v50 =	vshrl.u32 v43, $0x3;
	v51 =	vshrl.u32 v39, $0x3;
	v46 =	vshrl.u32 v41, $0x3  }
0x221: {  	v52 =	vshrl.u32 v42, $0x3;
	v53 =	vshrl.u32 v45, $0x3;
	v54 =	vshrl.u32 v48, $0x3  }
0x222: {  	v47 =	vshll.u32 v47, v3;
	v37 =	vshll.u32 v37, v3;
	v55 =	vshrl.u32 v49, $0x3  }
0x223: {  	s26 =	sadd.s32 $0x80, s26;
	v40 =	vshll.u32 v40, v3;
	v35 =	vshll.u32 v35, v3;
	v46 =	vmul.u32 $0x1400, v46;
	[tilespmem:v38+s13+$0x0] =	vst.idx.msk $0xffff, v1  }
0x224: {  	v34 =	vshll.u32 v34, v3;
	v36 =	vshll.u32 v36, v3;
	v38 =	vshll.u32 v44, v3;
	v44 =	vld [tilespmem:s26+$0x0]  }
0x225: {  	v50 =	vmul.u32 $0x1400, v50;
	v51 =	vmul.u32 $0x1400, v51;
	v52 =	vmul.u32 $0x1400, v52  }
0x226: {  	v53 =	vmul.u32 $0x1400, v53;
	v54 =	vmul.u32 $0x1400, v54;
	v55 =	vmul.u32 $0x1400, v55  }
0x227: {  	v47 =	vbroadcast v47, $0x0;
	v37 =	vbroadcast v37, $0x0;
	v41 =	vshll.u32 v41, $0x7  }
0x228: {  	v40 =	vbroadcast v40, $0x0;
	v43 =	vshll.u32 v43, $0x7;
	v35 =	vbroadcast v35, $0x0  }
0x229: {  	v34 =	vbroadcast v34, $0x0;
	v38 =	vbroadcast v38, $0x0;
	vm0 =	vgt.s32 v44, $0x0  }
0x22a: {  	v39 =	vshll.u32 v39, $0x7;
	v36 =	vbroadcast v36, $0x0;
	v44 =	vnsel vm0, $0x0, v44  }
0x22b: {  	v42 =	vshll.u32 v42, $0x7;
	v45 =	vshll.u32 v45, $0x7;
	v44 =	vmin.u32 v44, $0x76  }
0x22c: {  	v48 =	vshll.u32 v48, $0x7;
	v46 =	vadd.s32 v47, v46;
	v49 =	vshll.u32 v49, $0x7  }
0x22d: {  	v50 =	vadd.s32 v37, v50;
	v51 =	vadd.s32 v40, v51;
	v52 =	vadd.s32 v35, v52  }
0x22e: {  	v53 =	vadd.s32 v34, v53;
	v55 =	vadd.s32 v36, v55;
	v54 =	vadd.s32 v38, v54  }
0x22f: {  	v43 =	vand.u32 $0x380, v43;
	v39 =	vand.u32 $0x380, v39;
	v41 =	vand.u32 $0x380, v41  }
0x230: {  	v42 =	vand.u32 $0x380, v42;
	v45 =	vand.u32 $0x380, v45;
	v48 =	vand.u32 $0x380, v48;
	v44 =	vld.idx.msk [tilespmem:v44+s4+$0x0], $0xffff  }
0x231: {  	v43 =	vor.u32 v43, v50;
	v41 =	vor.u32 v41, v46;
	v46 =	vand.u32 $0x380, v49  }
0x232: {  	v39 =	vor.u32 v39, v51;
	v42 =	vor.u32 v42, v52;
	v45 =	vor.u32 v45, v53  }
0x233: {  	v41 =	vor.u32 v0, v41;
	v46 =	vor.u32 v46, v55;
	v48 =	vor.u32 v48, v54  }
0x234: {  	v43 =	vor.u32 v5, v43;
	v39 =	vor.u32 v6, v39;
	v42 =	vor.u32 v7, v42  }
0x235: {  	v45 =	vor.u32 v8, v45;
	v46 =	vor.u32 v10, v46;
	v48 =	vor.u32 v9, v48  }
0x236: {  	v50 =	vshll.u32 v24, $0x7;
	v49 =	vshll.u32 v25, $0x7;
	vm0 =	vgt.s32 v44, $0x0  }
0x237: {  	v51 =	vshll.u32 v23, $0x7;
	v52 =	vshll.u32 v15, $0x7;
	v44 =	vnsel vm0, $0x0, v44  }
0x238: {  	v53 =	vshll.u32 v13, $0x7;
	[tilespmem:v41+s13+$0x0] =	vst.idx.msk $0xffff, v1;
	v41 =	vmin.u32 v44, $0x11;
	v44 =	vshll.u32 v12, $0x7  }
0x239: {  	v31 =	vadd.s32 v16, v31;
	v16 =	vmovc v47;
	v55 =	vshll.u32 v14, $0x7;
	v54 =	vld [tilespmem:s26+$0xFFFFFF90];
	[tilespmem:v43+s13+$0x0] =	vst.idx.msk $0xffff, v1;
	v43 =	vshrl.u32 v41, $0x3  }
0x23a: {  	v26 =	vadd.s32 v22, v26;
	v32 =	vadd.s32 v21, v32;
	v47 =	vld [tilespmem:s26+$0xFFFFFFA0];
	[tilespmem:v39+s13+$0x0] =	vst.idx.msk $0xffff, v1;
	v39 =	vmul.u32 $0x1400, v43  }
0x23b: {  	v28 =	vadd.s32 v20, v28;
	v29 =	vadd.s32 v19, v29;
	v21 =	vshll.u32 v41, $0x7;
	v43 =	vld [tilespmem:s26+$0xFFFFFFB0];
	[tilespmem:v42+s13+$0x0] =	vst.idx.msk $0xffff, v1  }
0x23c: {  	v30 =	vadd.s32 v18, v30;
	v20 =	vand.u32 $0x380, v21;
	v42 =	vld [tilespmem:s26+$0xFFFFFFC0];
	[tilespmem:v45+s13+$0x0] =	vst.idx.msk $0xffff, v1;
	v19 =	vadd.s32 v33, v39  }
0x23d: {  	v27 =	vadd.s32 v17, v27;
	v39 =	vand.u32 $0x380, v49;
	v33 =	vld [tilespmem:s26+$0xFFFFFFD0];
	[tilespmem:v48+s13+$0x0] =	vst.idx.msk $0xffff, v1;
	v18 =	vor.u32 v20, v19  }
0x23e: {  	v22 =	vmovc v37;
	v48 =	vand.u32 $0x380, v50;
	vm0 =	vgt.s32 v54, $0x0;
	v45 =	vld [tilespmem:s26+$0xFFFFFFE0];
	[tilespmem:v46+s13+$0x0] =	vst.idx.msk $0xffff, v1;
	v46 =	vor.u32 v11, v18  }
0x23f: {  	v49 =	vand.u32 $0x380, v51;
	v21 =	vmovc v40;
	v20 =	vmovc v35;
	v50 =	vnsel vm0, $0x0, v54;
	vm0 =	vgt.s32 v47, $0x0;
	v37 =	vld [tilespmem:s26+$0xFFFFFFF0]  }
0x240: {  	v19 =	vmovc v34;
	v35 =	vmin.u32 v50, $0x76;
	v40 =	vnsel vm0, $0x0, v47;
	vm0 =	vgt.s32 v43, $0x0;
	v18 =	vmovc v38  }
0x241: {  	v17 =	vmovc v36;
	v34 =	vmin.u32 v40, $0x76;
	v38 =	vnsel vm0, $0x0, v43;
	vm0 =	vgt.s32 v42, $0x0  }
0x242: {  	v36 =	vmin.u32 v38, $0x76;
	v38 =	vnsel vm0, $0x0, v42;
	vm0 =	vgt.s32 v33, $0x0  }
0x243: {  	v38 =	vmin.u32 v38, $0x76;
	v33 =	vnsel vm0, $0x0, v33;
	vm0 =	vgt.s32 v45, $0x0;
	[tilespmem:v46+s13+$0x0] =	vst.idx.msk $0xffff, v4  }
0x244: {  	v33 =	vmin.u32 v33, $0x76;
	v40 =	vnsel vm0, $0x0, v45;
	vm0 =	vgt.s32 v37, $0x0;
	[tilespmem:s30+$0x30] =	vst v41  }
0x245: {  	v41 =	vld.idx.msk [tilespmem:v35+s4+$0x0], $0xffff;
	v35 =	vmin.u32 v40, $0x76;
	v37 =	vnsel vm0, $0x0, v37;
	v40 =	vand.u32 $0x380, v52  }
0x246: {  	v43 =	vand.u32 $0x380, v53;
	v42 =	vld.idx.msk [tilespmem:v34+s4+$0x0], $0xffff;
	v34 =	vmin.u32 v37, $0x76;
	v37 =	vand.u32 $0x380, v44  }
0x247: {  	v31 =	vor.u32 v39, v31;
	v39 =	vand.u32 $0x380, v55;
	v26 =	vor.u32 v48, v26;
	v36 =	vld.idx.msk [tilespmem:v36+s4+$0x0], $0xffff  }
0x248: {  	v32 =	vor.u32 v49, v32;
	v28 =	vor.u32 v40, v28;
	v29 =	vor.u32 v37, v29;
	v38 =	vld.idx.msk [tilespmem:v38+s4+$0x0], $0xffff  }
0x249: {  	v31 =	vor.u32 v0, v31;
	v27 =	vor.u32 v39, v27;
	v37 =	vor.u32 v43, v30;
	v33 =	vld.idx.msk [tilespmem:v33+s4+$0x0], $0xffff  }
0x24a: {  	v32 =	vor.u32 v6, v32;
	v40 =	vor.u32 v5, v26;
	v26 =	vor.u32 v7, v28;
	v39 =	vld.idx.msk [tilespmem:v35+s4+$0x0], $0xffff  }
0x24b: {  	v30 =	vor.u32 v8, v29;
	vm0 =	vgt.s32 v41, $0x0;
	v35 =	vor.u32 v9, v37;
	v28 =	vld.idx.msk [tilespmem:v34+s4+$0x0], $0xffff  }
0x24c: {  	v29 =	vnsel vm0, $0x0, v41;
	vm0 =	vgt.s32 v42, $0x0;
	v34 =	vor.u32 v10, v27  }
0x24d: {  	v27 =	vmin.u32 v29, $0x11;
	v29 =	vnsel vm0, $0x0, v42;
	vm0 =	vgt.s32 v36, $0x0  }
0x24e: {  	v29 =	vmin.u32 v29, $0x11;
	v36 =	vnsel vm0, $0x0, v36;
	vm0 =	vgt.s32 v38, $0x0;
	[tilespmem:v31+s13+$0x0] =	vst.idx.msk $0xffff, v4  }
.Ltmp8:
0x24f: {  	v41 =	vmin.u32 v36, $0x11;
	v31 =	vnsel vm0, $0x0, v38;
	vm0 =	vgt.s32 v33, $0x0;
	[tilespmem:s23+$0xFFFFFFC0] =	vst v25;
	v25 =	vmovc v27;
	(pc) =	sbr.rel @p0 .LBB2_10-.Ltmp8, $4  }
0x250: {  	v27 =	vmin.u32 v31, $0x11;
	v31 =	vnsel vm0, $0x0, v33;
	vm0 =	vgt.s32 v39, $0x0;
	[tilespmem:v40+s13+$0x0] =	vst.idx.msk $0xffff, v4  }
0x251: {  	v37 =	vmin.u32 v31, $0x11;
	v33 =	vnsel vm0, $0x0, v39;
	vm0 =	vgt.s32 v28, $0x0;
	[tilespmem:s23+$0xFFFFFFD0] =	vst v24;
	v24 =	vmovc v29  }
0x252: {  	v31 =	vshrl.u32 v25, $0x3;
	v33 =	vmin.u32 v33, $0x11;
	v29 =	vnsel vm0, $0x0, v28;
	[tilespmem:v32+s13+$0x0] =	vst.idx.msk $0xffff, v4  }
0x253: {  	s30 =	sadd.s32 $0x80, s30;
	v28 =	vshrl.u32 v41, $0x3;
	v32 =	vshrl.u32 v24, $0x3;
	v36 =	vmin.u32 v29, $0x11;
	[tilespmem:s23+$0xFFFFFFE0] =	vst v23;
	v23 =	vmovc v41  }
0x254: {  	_ = 	snop  }
0x255: {  	v29 =	vshrl.u32 v27, $0x3  }
0x256: {  	v38 =	vshrl.u32 v37, $0x3;
	v31 =	vmul.u32 $0x1400, v31;
	v39 =	vshrl.u32 v33, $0x3  }
0x257: {  	v63 =	vmul.u32 $0x1400, v32;
	v40 =	vshll.u32 v25, $0x7;
	v41 =	vshrl.u32 v36, $0x3  }
0x258: {  	[tilespmem:v26+s13+$0x0] =	vst.idx.msk $0xffff, v4;
	v28 =	vmul.u32 $0x1400, v28;
	v43 =	vshll.u32 v24, $0x7;
	v47 =	vshll.u32 v23, $0x7  }
0x259: {  	[tilespmem:v30+s13+$0x0] =	vst.idx.msk $0xffff, v4;
	v42 =	vand.u32 $0x380, v40;
	v45 =	vand.u32 $0x380, v43;
	v16 =	vadd.s32 v16, v31  }
0x25a: {  	[tilespmem:v35+s13+$0x0] =	vst.idx.msk $0xffff, v4;
	v49 =	vand.u32 $0x380, v47;
	v44 =	vadd.s32 v22, v63;
	v16 =	vor.u32 v42, v16  }
0x25b: {  	[tilespmem:s23+$0x0] =	vst v12;
	v48 =	vadd.s32 v21, v28;
	v12 =	vor.u32 v45, v44;
	v16 =	vor.u32 v0, v16  }
0x25c: {  	v51 =	vshll.u32 v27, $0x7;
	[tilespmem:s23+$0x10] =	vst v13;
	v13 =	vor.u32 v49, v48;
	v12 =	vor.u32 v5, v12  }
0x25d: {  	[tilespmem:v34+s13+$0x0] =	vst.idx.msk $0xffff, v4;
	v55 =	vshll.u32 v37, $0x7;
	v46 =	vmul.u32 $0x1400, v29;
	v13 =	vor.u32 v6, v13  }
0x25e: {  	v58 =	vshll.u32 v33, $0x7;
	v61 =	vshll.u32 v36, $0x7;
	[tilespmem:s23+$0xFFFFFFF0] =	vst v15;
	v50 =	vmul.u32 $0x1400, v38  }
0x25f: {  	[tilespmem:s23+$0x20] =	vst v14;
	v53 =	vand.u32 $0x380, v51;
	v54 =	vmul.u32 $0x1400, v39;
	v52 =	vadd.s32 v20, v46  }
0x260: {  	v57 =	vand.u32 $0x380, v55;
	v15 =	vmul.u32 $0x1400, v41;
	v14 =	vor.u32 v53, v52;
	[tilespmem:v16+s13+$0x0] =	vst.idx.msk $0xffff, v4  }
0x261: {  	v60 =	vand.u32 $0x380, v58;
	v56 =	vadd.s32 v19, v50;
	v14 =	vor.u32 v7, v14;
	[tilespmem:v12+s13+$0x0] =	vst.idx.msk $0xffff, v4  }
0x262: {  	v63 =	vand.u32 $0x380, v61;
	v59 =	vadd.s32 v18, v54;
	v16 =	vor.u32 v57, v56;
	[tilespmem:v13+s13+$0x0] =	vst.idx.msk $0xffff, v4  }
0x263: {  	v62 =	vadd.s32 v17, v15;
	v12 =	vor.u32 v60, v59;
	[tilespmem:s24+$0xFFFFFFC0] =	vst v25;
	v16 =	vor.u32 v8, v16  }
0x264: {  	v13 =	vor.u32 v63, v62;
	[tilespmem:s24+$0xFFFFFFD0] =	vst v24;
	v12 =	vor.u32 v9, v12  }
0x265: {  	[tilespmem:s24+$0xFFFFFFE0] =	vst v23;
	v13 =	vor.u32 v10, v13  }
0x266: {  	[tilespmem:v14+s13+$0x0] =	vst.idx.msk $0xffff, v4  }
0x267: {  	[tilespmem:s24+$0xFFFFFFF0] =	vst v27  }
0x268: {  	[tilespmem:v16+s13+$0x0] =	vst.idx.msk $0xffff, v4  }
0x269: {  	[tilespmem:v12+s13+$0x0] =	vst.idx.msk $0xffff, v4  }
.Ltmp9:
0x26a: {  	[tilespmem:v13+s13+$0x0] =	vst.idx.msk $0xffff, v4;
	(pc) =	sbr.rel .LBB2_12-.Ltmp9, $4  }
0x26b: {  	[tilespmem:s24+$0x0] =	vst v37  }
0x26c: {  	[tilespmem:s24+$0x10] =	vst v33  }
0x26d: {  	s0 =	sadd.s32 s3, s28;
	[tilespmem:s24+$0x20] =	vst v36  }
0x26e: {  	[hbm4b:s0+s15] =	stream.strided.scatter [tilespmem:s13], [sflag:$0x3], $0x3C00, s16, s15, $0x38;
	[tilespmem:$0x17280] =	vst v63  }
.LBB2_14:
0x26f: {  	_ =	sfence.sel $0x180000  }
0x270: {  	[bflag:$0x0] =	sbarrier.arrive $0xFFFF  }
0x271: {  	_ =	strace $0x90000047  }
0x272: {  	s0 =	stileid.u32;
	[bflag:$0x2] =	sbarrier.arrive $0xFFFF  }
0x273: {  	p0 =	sne.s32 s0, $0x0;
	s0 =	rddreg [dreg:$0x3]  }
0x274: {  	s0 =	sadd.s32 @!p0 $0x100000, s0  }
0x275: {  	[sflag:s0] =	ssyncadd.tile.s32 @!p0 $0x1;
	_ =	shalt  }
.Lfunc_end2:
_tile_overlayer_lowered:
.L_overlay_start_2:
0x276: {  	(tag) =	ssettag $0x2  }
0x277: {  	s0 =	rddreg [dreg:$0x0];
	s2 =	stileid.u32  }
0x278: {  	s1 =	rddreg [dreg:$0x1];
	p0 =	sne.s32 s2, $0x0  }
0x279: {  	s3 =	rddreg [dreg:$0x2];
	[bflag:$0x3] =	sbarrier.arrive $0xFFFF;
	s2 =	simm.s32 @!p0 $0x1C04  }
0x27a: {  	[timem:s3], [sflag:s2] =	dma.local @!p0 [hbm:s0], s1  }
0x27b: {  	s0 =	simm.s32 @!p0 $0x4  }
0x27c: {  	_ =	swait.ge @!p0 [sflag:s0], s1  }
0x27d: {  	s1 =	ssub.s32 @!p0 $0x0, s1;
	[sflag:s0] =	ssyncset.done @!p0 $0x0  }
0x27e: {  	[sflag:s0] =	ssyncadd.s32 @!p0 s1  }
0x27f: {  	[bflag:$0x3] =	sbarrier.arrive $0xFFFF  }
0x280: {  	_ =	shalt  }

</sc_bundles>
